<compile_context>
chip_gen: v7x
topology: tpu7x:2x2x1
jax: 0.10.2.dev20260603
libtpu: 0.0.44.dev20260713+nightly
codegen_flags: <defaults>
</compile_context>

<pallas_src>
import functools
import math

import jax
import jax.numpy as jnp
from jax import lax
from jax.experimental import pallas as pl
from jax.experimental.pallas import tpu as pltpu

IMG_H, IMG_W = 800, 800
N_NMS = 10000
BLK = 128
NB = 80
NPAD = NB * BLK


def _iou_parts(x1a, y1a, x2a, y2a, aa, x1b, y1b, x2b, y2b, ab):
    xx1 = jnp.maximum(x1a, x1b)
    yy1 = jnp.maximum(y1a, y1b)
    xx2 = jnp.minimum(x2a, x2b)
    yy2 = jnp.minimum(y2a, y2b)
    inter = jnp.maximum(xx2 - xx1, 0.0) * jnp.maximum(yy2 - yy1, 0.0)
    iou = inter / (aa + ab - inter + 1e-9)
    return iou


GRP = 8
NG = NB // GRP


def _nms_kernel(x1r, y1r, x2r, y2r, x1c, y1c, x2c, y2c, keep_ref):
    keep_ref[...] = jnp.ones((NB, BLK), jnp.float32)

    lane = lax.broadcasted_iota(jnp.int32, (BLK, BLK), 1)
    subl = lax.broadcasted_iota(jnp.int32, (BLK, BLK), 0)
    upper = lane > subl
    grow = lax.broadcasted_iota(jnp.int32, (GRP, 1), 0)

    def outer(bi, _):
        keep_init = keep_ref[pl.ds(bi, 1), :]

        @pl.when(jnp.any(keep_init > 0.0))
        def _block():
            cx1 = x1c[pl.ds(bi * BLK, BLK), :]
            cy1 = y1c[pl.ds(bi * BLK, BLK), :]
            cx2 = x2c[pl.ds(bi * BLK, BLK), :]
            cy2 = y2c[pl.ds(bi * BLK, BLK), :]
            ca = (cx2 - cx1) * (cy2 - cy1)
            rx1 = x1r[pl.ds(bi, 1), :]
            ry1 = y1r[pl.ds(bi, 1), :]
            rx2 = x2r[pl.ds(bi, 1), :]
            ry2 = y2r[pl.ds(bi, 1), :]
            ra = (rx2 - rx1) * (ry2 - ry1)

            iou = _iou_parts(cx1, cy1, cx2, cy2, ca, rx1, ry1, rx2, ry2, ra)
            s_upper = jnp.where((iou > 0.7) & upper, 1.0, 0.0)

            def fix_cond(c):
                return jnp.any(c[0] != c[1])

            def fix_body(c):
                k, _ = c
                sup = jax.lax.dot_general(
                    k, s_upper, (((1,), (0,)), ((), ())),
                    preferred_element_type=jnp.float32)
                k_new = keep_init * jnp.where(sup == 0.0, 1.0, 0.0)
                return (k_new, k)

            k_blk, _ = lax.while_loop(fix_cond, fix_body,
                                      (keep_init, keep_init - 1.0))
            keep_ref[pl.ds(bi, 1), :] = k_blk

            def inner(g, _):
                gx1 = x1r[pl.ds(g * GRP, GRP), :]
                gy1 = y1r[pl.ds(g * GRP, GRP), :]
                gx2 = x2r[pl.ds(g * GRP, GRP), :]
                gy2 = y2r[pl.ds(g * GRP, GRP), :]
                ga = (gx2 - gx1) * (gy2 - gy1)
                sups = []
                for u in range(GRP):
                    iou_c = _iou_parts(
                        cx1, cy1, cx2, cy2, ca,
                        gx1[u:u + 1, :], gy1[u:u + 1, :],
                        gx2[u:u + 1, :], gy2[u:u + 1, :], ga[u:u + 1, :])
                    s_c = jnp.where(iou_c > 0.7, 1.0, 0.0)
                    sups.append(jax.lax.dot_general(
                        k_blk, s_c, (((1,), (0,)), ((), ())),
                        preferred_element_type=jnp.float32))
                sup = jnp.concatenate(sups, axis=0)
                later = (g * GRP + grow) > bi
                factor = jnp.where(later & (sup != 0.0), 0.0, 1.0)
                keep_ref[pl.ds(g * GRP, GRP), :] = (
                    keep_ref[pl.ds(g * GRP, GRP), :] * factor)
                return 0

            lax.fori_loop(bi // GRP, NG, inner, 0,
                          unroll=False)
        return 0

    lax.fori_loop(0, NB, outer, 0)


def _nms_keep(props):
    pad = jnp.zeros((NPAD - N_NMS, 4), jnp.float32)
    p = jnp.concatenate([props, pad], axis=0)
    rows = [p[:, i].reshape(NB, BLK) for i in range(4)]
    cols = [p[:, i].reshape(NPAD, 1) for i in range(4)]
    keep = pl.pallas_call(
        _nms_kernel,
        out_shape=jax.ShapeDtypeStruct((NB, BLK), jnp.float32),
    )(*rows, *cols)
    return keep.reshape(-1)[:N_NMS] > 0.5


def _conv2d(x, w, b, pad):
    y = lax.conv_general_dilated(x, w, (1, 1), pad,
                                 dimension_numbers=("NCHW", "OIHW", "NCHW"))
    return y + b[None, :, None, None]


def _generate_anchors(image_shape, feat_shape):
    scales = jnp.array([128.0, 256.0, 512.0], dtype=jnp.float32)
    ratios = jnp.array([0.5, 1.0, 2.0], dtype=jnp.float32)
    grid_h, grid_w = feat_shape
    image_h, image_w = image_shape
    stride_h = float(image_h // grid_h)
    stride_w = float(image_w // grid_w)
    h_ratios = jnp.sqrt(ratios)
    w_ratios = 1.0 / h_ratios
    ws = (w_ratios[:, None] * scales[None, :]).reshape(-1)
    hs = (h_ratios[:, None] * scales[None, :]).reshape(-1)
    base = jnp.round(jnp.stack([-ws, -hs, ws, hs], axis=1) / 2.0)
    sx = jnp.arange(grid_w, dtype=jnp.float32) * stride_w
    sy = jnp.arange(grid_h, dtype=jnp.float32) * stride_h
    yy, xx = jnp.meshgrid(sy, sx, indexing="ij")
    xx = xx.reshape(-1)
    yy = yy.reshape(-1)
    shifts = jnp.stack([xx, yy, xx, yy], axis=1)
    return (shifts[:, None, :] + base[None, :, :]).reshape(-1, 4)


def _apply_regression(box_pred, anchors):
    w = anchors[:, 2] - anchors[:, 0]
    h = anchors[:, 3] - anchors[:, 1]
    cx = anchors[:, 0] + 0.5 * w
    cy = anchors[:, 1] + 0.5 * h
    dx, dy, dw, dh = box_pred[:, 0], box_pred[:, 1], box_pred[:, 2], box_pred[:, 3]
    lim = math.log(1000.0 / 16.0)
    dw = jnp.minimum(dw, lim)
    dh = jnp.minimum(dh, lim)
    pcx = dx * w + cx
    pcy = dy * h + cy
    pw = jnp.exp(dw) * w
    ph = jnp.exp(dh) * h
    return jnp.stack([pcx - 0.5 * pw, pcy - 0.5 * ph,
                      pcx + 0.5 * pw, pcy + 0.5 * ph], axis=1)


def kernel(image, feat, W_rpn, b_rpn, W_cls, b_cls, W_box, b_box):
    rpn_feat = jax.nn.relu(_conv2d(feat, W_rpn, b_rpn, "SAME"))
    cls = _conv2d(rpn_feat, W_cls, b_cls, "VALID")
    box = _conv2d(rpn_feat, W_box, b_box, "VALID")
    gh, gw = rpn_feat.shape[-2], rpn_feat.shape[-1]
    anchors = _generate_anchors((image.shape[-2], image.shape[-1]), (gh, gw))
    na = cls.shape[1]
    cls_flat = jnp.transpose(cls, (0, 2, 3, 1)).reshape(-1)
    box_t = box.reshape(box.shape[0], na, 4, gh, gw)
    box_t = jnp.transpose(box_t, (0, 3, 4, 1, 2)).reshape(-1, 4)
    proposals = _apply_regression(box_t, anchors)
    scores = jax.nn.sigmoid(cls_flat)
    top_scores, top_idx = jax.lax.top_k(scores, N_NMS)
    props = proposals[top_idx]
    props = jnp.stack([jnp.clip(props[:, 0], 0.0, float(image.shape[-1])),
                       jnp.clip(props[:, 1], 0.0, float(image.shape[-2])),
                       jnp.clip(props[:, 2], 0.0, float(image.shape[-1])),
                       jnp.clip(props[:, 3], 0.0, float(image.shape[-2]))], axis=1)
    keep = _nms_keep(props)
    return props[:2000] + jnp.sum(jnp.where(keep, 1.0, 0.0)), top_scores[:2000]

# --- scband reference (transcript-rebuilt; emitter-appended) ---
"""Pipeline reference for scband-region-proposal-network-28338194219681 (READ-ONLY COPY).

The authoritative reference and input builder live on the scoring server;
editing this copy changes nothing except your own understanding.
"""

import jax, jax.numpy as jnp
import numpy as np
import math

IMG_H, IMG_W = 800, 800
SCALES = jnp.array([128.0, 256.0, 512.0], dtype=jnp.float32)
RATIOS = jnp.array([0.5, 1.0, 2.0], dtype=jnp.float32)


def setup_inputs(seed: int = 0) -> dict:
    key = jax.random.key(seed)
    ks = jax.random.split(key, 8)
    image = jax.random.uniform(ks[0], (1, 3, IMG_H, IMG_W), dtype=jnp.float32)
    feat = jax.random.normal(ks[1], (1, 256, 50, 50), dtype=jnp.float32)
    W_rpn = jax.random.normal(ks[2], (256, 256, 3, 3), dtype=jnp.float32) * 0.01
    b_rpn = jnp.zeros((256,), jnp.float32)
    W_cls = jax.random.normal(ks[3], (9, 256, 1, 1), dtype=jnp.float32) * 0.01
    b_cls = jnp.zeros((9,), jnp.float32)
    W_box = jax.random.normal(ks[4], (36, 256, 1, 1), dtype=jnp.float32) * 0.01
    b_box = jnp.zeros((36,), jnp.float32)
    return {"image": image, "feat": feat, "W_rpn": W_rpn, "b_rpn": b_rpn,
            "W_cls": W_cls, "b_cls": b_cls, "W_box": W_box, "b_box": b_box}


def conv2d(x, w, b, pad):
    y = jax.lax.conv_general_dilated(x, w, (1, 1), pad,
                                     dimension_numbers=("NCHW", "OIHW", "NCHW"))
    return y + b[None, :, None, None]


def generate_anchors(image_shape, feat_shape):
    grid_h, grid_w = feat_shape
    image_h, image_w = image_shape
    stride_h = float(image_h // grid_h)
    stride_w = float(image_w // grid_w)
    h_ratios = jnp.sqrt(RATIOS)
    w_ratios = 1.0 / h_ratios
    ws = (w_ratios[:, None] * SCALES[None, :]).reshape(-1)
    hs = (h_ratios[:, None] * SCALES[None, :]).reshape(-1)
    base = jnp.round(jnp.stack([-ws, -hs, ws, hs], axis=1) / 2.0)
    sx = jnp.arange(grid_w, dtype=jnp.float32) * stride_w
    sy = jnp.arange(grid_h, dtype=jnp.float32) * stride_h
    yy, xx = jnp.meshgrid(sy, sx, indexing="ij")
    xx = xx.reshape(-1)
    yy = yy.reshape(-1)
    shifts = jnp.stack([xx, yy, xx, yy], axis=1)
    anchors = (shifts[:, None, :] + base[None, :, :]).reshape(-1, 4)
    return anchors


def apply_regression(box_pred, anchors):
    w = anchors[:, 2] - anchors[:, 0]
    h = anchors[:, 3] - anchors[:, 1]
    cx = anchors[:, 0] + 0.5 * w
    cy = anchors[:, 1] + 0.5 * h
    dx, dy, dw, dh = box_pred[:, 0], box_pred[:, 1], box_pred[:, 2], box_pred[:, 3]
    lim = math.log(1000.0 / 16.0)
    dw = jnp.minimum(dw, lim)
    dh = jnp.minimum(dh, lim)
    pcx = dx * w + cx
    pcy = dy * h + cy
    pw = jnp.exp(dw) * w
    ph = jnp.exp(dh) * h
    return jnp.stack([pcx - 0.5 * pw, pcy - 0.5 * ph, pcx + 0.5 * pw, pcy + 0.5 * ph], axis=1)


def nms_keep_order(boxes, scores, thresh):
    # boxes are already sorted by descending score (output of top_k)
    n = boxes.shape[0]
    x1, y1, x2, y2 = boxes[:, 0], boxes[:, 1], boxes[:, 2], boxes[:, 3]
    areas = (x2 - x1) * (y2 - y1)
    idxs = jnp.arange(n)

    def body(i, keep):
        xx1 = jnp.maximum(x1[i], x1)
        yy1 = jnp.maximum(y1[i], y1)
        xx2 = jnp.minimum(x2[i], x2)
        yy2 = jnp.minimum(y2[i], y2)
        inter = jnp.clip(xx2 - xx1, 0.0) * jnp.clip(yy2 - yy1, 0.0)
        iou = inter / (areas[i] + areas - inter + 1e-9)
        sup = (iou > thresh) & (idxs > i) & keep[i]
        return keep & (~sup)

    keep = jax.lax.fori_loop(0, n, body, jnp.ones((n,), bool))
    # stable argsort puts kept indices first, preserving score order (like torchvision nms output)
    order = jnp.argsort(~keep)
    return order


def reference(image, feat, W_rpn, b_rpn, W_cls, b_cls, W_box, b_box):
    rpn_feat = jax.nn.relu(conv2d(feat, W_rpn, b_rpn, "SAME"))
    cls = conv2d(rpn_feat, W_cls, b_cls, "VALID")
    box = conv2d(rpn_feat, W_box, b_box, "VALID")
    gh, gw = rpn_feat.shape[-2], rpn_feat.shape[-1]
    anchors = generate_anchors((image.shape[-2], image.shape[-1]), (gh, gw))
    na = cls.shape[1]
    cls_flat = jnp.transpose(cls, (0, 2, 3, 1)).reshape(-1)
    box_t = box.reshape(box.shape[0], na, 4, gh, gw)
    box_t = jnp.transpose(box_t, (0, 3, 4, 1, 2)).reshape(-1, 4)
    # torch uses .detach() on both heads before proposal filtering
    proposals = apply_regression(jax.lax.stop_gradient(box_t), anchors)
    scores = jax.nn.sigmoid(jax.lax.stop_gradient(cls_flat))
    top_scores, top_idx = jax.lax.top_k(scores, 10000)
    props = proposals[top_idx]
    props = jnp.stack([jnp.clip(props[:, 0], 0.0, float(image.shape[-1])),
                       jnp.clip(props[:, 1], 0.0, float(image.shape[-2])),
                       jnp.clip(props[:, 2], 0.0, float(image.shape[-1])),
                       jnp.clip(props[:, 3], 0.0, float(image.shape[-2]))], axis=1)
    order = nms_keep_order(props, top_scores, 0.7)
    keep = order[:2000]
    return props[keep], top_scores[keep]

if __name__ == "__main__":
    import jax
    _d = setup_inputs()
    print(jax.jit(kernel)(*tuple(_d.values())))

</pallas_src>

<mosaic_0001>
module attributes {stable_mosaic.version = 14 : i64} {
  func.func @_nms_kernel(%arg0: memref<80x128xf32, #tpu.memory_space<vmem>>, %arg1: memref<80x128xf32, #tpu.memory_space<vmem>>, %arg2: memref<80x128xf32, #tpu.memory_space<vmem>>, %arg3: memref<80x128xf32, #tpu.memory_space<vmem>>, %arg4: memref<10240x1xf32, #tpu.memory_space<vmem>>, %arg5: memref<10240x1xf32, #tpu.memory_space<vmem>>, %arg6: memref<10240x1xf32, #tpu.memory_space<vmem>>, %arg7: memref<10240x1xf32, #tpu.memory_space<vmem>>, %arg8: memref<80x128xf32, #tpu.memory_space<vmem>>) attributes {dimension_semantics = [], scalar_prefetch = 0 : i64, scratch_operands = 0 : i64, tpu.core_type = #tpu.core_type<tc>} {
    %broadcast_in_dim3A = arith.constant 1.000000e+00 : f32
    %broadcast_in_dim3A_0 = vector.broadcast %broadcast_in_dim3A : f32 to vector<80x128xf32>
    %swap3A = arith.constant 0 : index
    %swap3A_1 = arith.constant 0 : index
    %swap3A_2 = vector.load %arg8[%swap3A, %swap3A_1] : memref<80x128xf32, #tpu.memory_space<vmem>>, vector<80x128xf32>
    tpu.vector_store %arg8[%swap3A, %swap3A_1], %broadcast_in_dim3A_0 {strides = array<i32>} : memref<80x128xf32, #tpu.memory_space<vmem>>, vector<80x128xf32>,
    %iota3A = tpu.iota {dimensions = array<i32: 1>} : vector<128x128xi32>
    %iota3A_3 = tpu.iota {dimensions = array<i32: 0>} : vector<128x128xi32>
    %gt3A = arith.cmpi sgt, %iota3A, %iota3A_3 : vector<128x128xi32>
    %iota3A_4 = tpu.iota {dimensions = array<i32: 0>} : vector<8x1xi32>
    %scan3A = arith.constant 0 : i32
    %scan3A_5 = arith.constant 80 : i32
    %scan3A_6 = arith.addi %scan3A, %scan3A_5 : i32
    %scan3A_7 = arith.constant 1 : i32
    scf.for %scan3A_9 = %scan3A to %scan3A_6 step %scan3A_7  : i32 {
      %get3A = arith.index_cast %scan3A_9 : i32 to index
      %get3A_10 = arith.constant 0 : index
      %get3A_11 = vector.load %arg8[%get3A, %get3A_10] : memref<80x128xf32, #tpu.memory_space<vmem>>, vector<1x128xf32>
      %gt3A_12 = arith.constant 0.000000e+00 : f32
      %gt3A_13 = vector.broadcast %gt3A_12 : f32 to vector<1x128xf32>
      %gt3A_14 = arith.cmpf ogt, %get3A_11, %gt3A_13 : vector<1x128xf32>
      %reduce_or3A = arith.constant 1.000000e+00 : f32
      %reduce_or3A_15 = arith.constant 0.000000e+00 : f32
      %reduce_or3A_16 = vector.broadcast %reduce_or3A : f32 to vector<1x128xf32>
      %reduce_or3A_17 = vector.broadcast %reduce_or3A_15 : f32 to vector<1x128xf32>
      %reduce_or3A_18 = arith.select %gt3A_14, %reduce_or3A_16, %reduce_or3A_17 : vector<1x128xi1>, vector<1x128xf32>
      %reduce_or3A_19 = vector.shape_cast %reduce_or3A_18 : vector<1x128xf32> to vector<1x1x128xf32>
      %reduce_or3A_20 = arith.constant dense<0xFF800000> : vector<1xf32>
      %reduce_or3A_21 = vector.multi_reduction <maximumf>, %reduce_or3A_19, %reduce_or3A_20 [1, 2] : vector<1x1x128xf32> to vector<1xf32>
      %reduce_or3A_22 = vector.shape_cast %reduce_or3A_21 : vector<1xf32> to vector<1x1x1xf32>
      %reduce_or3A_23 = vector.extract %reduce_or3A_22[0, 0, 0] : f32 from vector<1x1x1xf32>
      %reduce_or3A_24 = arith.constant 0.000000e+00 : f32
      %reduce_or3A_25 = arith.cmpf ogt, %reduce_or3A_23, %reduce_or3A_24 : f32
      %convert_element_type3A = arith.extui %reduce_or3A_25 : i1 to i32
      %cond3A = arith.constant 0 : i32
      %cond3A_26 = arith.cmpi ne, %convert_element_type3A, %cond3A : i32
      scf.if %cond3A_26 {
        %mul3A = arith.constant 128 : i32
        %mul3A_27 = arith.muli %scan3A_9, %mul3A : i32
        %get3A_28 = arith.index_cast %mul3A_27 : i32 to index
        %get3A_29 = arith.constant 0 : index
        %get3A_30 = vector.load %arg4[%get3A_28, %get3A_29] : memref<10240x1xf32, #tpu.memory_space<vmem>>, vector<128x1xf32>
        %mul3A_31 = arith.constant 128 : i32
        %mul3A_32 = arith.muli %scan3A_9, %mul3A_31 : i32
        %get3A_33 = arith.index_cast %mul3A_32 : i32 to index
        %get3A_34 = arith.constant 0 : index
        %get3A_35 = vector.load %arg5[%get3A_33, %get3A_34] : memref<10240x1xf32, #tpu.memory_space<vmem>>, vector<128x1xf32>
        %mul3A_36 = arith.constant 128 : i32
        %mul3A_37 = arith.muli %scan3A_9, %mul3A_36 : i32
        %get3A_38 = arith.index_cast %mul3A_37 : i32 to index
        %get3A_39 = arith.constant 0 : index
        %get3A_40 = vector.load %arg6[%get3A_38, %get3A_39] : memref<10240x1xf32, #tpu.memory_space<vmem>>, vector<128x1xf32>
        %mul3A_41 = arith.constant 128 : i32
        %mul3A_42 = arith.muli %scan3A_9, %mul3A_41 : i32
        %get3A_43 = arith.index_cast %mul3A_42 : i32 to index
        %get3A_44 = arith.constant 0 : index
        %get3A_45 = vector.load %arg7[%get3A_43, %get3A_44] : memref<10240x1xf32, #tpu.memory_space<vmem>>, vector<128x1xf32>
        %sub3A = arith.subf %get3A_40, %get3A_30 : vector<128x1xf32>
        %sub3A_46 = arith.subf %get3A_45, %get3A_35 : vector<128x1xf32>
        %mul3A_47 = arith.mulf %sub3A, %sub3A_46 : vector<128x1xf32>
        %get3A_48 = arith.index_cast %scan3A_9 : i32 to index
        %get3A_49 = arith.constant 0 : index
        %get3A_50 = vector.load %arg0[%get3A_48, %get3A_49] : memref<80x128xf32, #tpu.memory_space<vmem>>, vector<1x128xf32>
        %get3A_51 = arith.index_cast %scan3A_9 : i32 to index
        %get3A_52 = arith.constant 0 : index
        %get3A_53 = vector.load %arg1[%get3A_51, %get3A_52] : memref<80x128xf32, #tpu.memory_space<vmem>>, vector<1x128xf32>
        %get3A_54 = arith.index_cast %scan3A_9 : i32 to index
        %get3A_55 = arith.constant 0 : index
        %get3A_56 = vector.load %arg2[%get3A_54, %get3A_55] : memref<80x128xf32, #tpu.memory_space<vmem>>, vector<1x128xf32>
        %get3A_57 = arith.index_cast %scan3A_9 : i32 to index
        %get3A_58 = arith.constant 0 : index
        %get3A_59 = vector.load %arg3[%get3A_57, %get3A_58] : memref<80x128xf32, #tpu.memory_space<vmem>>, vector<1x128xf32>
        %sub3A_60 = arith.subf %get3A_56, %get3A_50 : vector<1x128xf32>
        %sub3A_61 = arith.subf %get3A_59, %get3A_53 : vector<1x128xf32>
        %mul3A_62 = arith.mulf %sub3A_60, %sub3A_61 : vector<1x128xf32>
        %max3A = vector.broadcast %get3A_30 : vector<128x1xf32> to vector<128x128xf32>
        %max3A_63 = vector.broadcast %get3A_50 : vector<1x128xf32> to vector<128x128xf32>
        %max3A_64 = arith.maximumf %max3A, %max3A_63 : vector<128x128xf32>
        %max3A_65 = vector.broadcast %get3A_35 : vector<128x1xf32> to vector<128x128xf32>
        %max3A_66 = vector.broadcast %get3A_53 : vector<1x128xf32> to vector<128x128xf32>
        %max3A_67 = arith.maximumf %max3A_65, %max3A_66 : vector<128x128xf32>
        %min3A = vector.broadcast %get3A_40 : vector<128x1xf32> to vector<128x128xf32>
        %min3A_68 = vector.broadcast %get3A_56 : vector<1x128xf32> to vector<128x128xf32>
        %min3A_69 = arith.minimumf %min3A, %min3A_68 : vector<128x128xf32>
        %min3A_70 = vector.broadcast %get3A_45 : vector<128x1xf32> to vector<128x128xf32>
        %min3A_71 = vector.broadcast %get3A_59 : vector<1x128xf32> to vector<128x128xf32>
        %min3A_72 = arith.minimumf %min3A_70, %min3A_71 : vector<128x128xf32>
        %sub3A_73 = arith.subf %min3A_69, %max3A_64 : vector<128x128xf32>
        %max3A_74 = arith.constant 0.000000e+00 : f32
        %max3A_75 = vector.broadcast %max3A_74 : f32 to vector<128x128xf32>
        %max3A_76 = arith.maximumf %sub3A_73, %max3A_75 : vector<128x128xf32>
        %sub3A_77 = arith.subf %min3A_72, %max3A_67 : vector<128x128xf32>
        %max3A_78 = arith.constant 0.000000e+00 : f32
        %max3A_79 = vector.broadcast %max3A_78 : f32 to vector<128x128xf32>
        %max3A_80 = arith.maximumf %sub3A_77, %max3A_79 : vector<128x128xf32>
        %mul3A_81 = arith.mulf %max3A_76, %max3A_80 : vector<128x128xf32>
        %add3A = vector.broadcast %mul3A_47 : vector<128x1xf32> to vector<128x128xf32>
        %add3A_82 = vector.broadcast %mul3A_62 : vector<1x128xf32> to vector<128x128xf32>
        %add3A_83 = arith.addf %add3A, %add3A_82 : vector<128x128xf32>
        %sub3A_84 = arith.subf %add3A_83, %mul3A_81 : vector<128x128xf32>
        %add3A_85 = arith.constant 9.99999971E-10 : f32
        %add3A_86 = vector.broadcast %add3A_85 : f32 to vector<128x128xf32>
        %add3A_87 = arith.addf %sub3A_84, %add3A_86 : vector<128x128xf32>
        %div3A = arith.divf %mul3A_81, %add3A_87 : vector<128x128xf32>
        %gt3A_88 = arith.constant 0.699999988 : f32
        %gt3A_89 = vector.broadcast %gt3A_88 : f32 to vector<128x128xf32>
        %gt3A_90 = arith.cmpf ogt, %div3A, %gt3A_89 : vector<128x128xf32>
        %and3A = arith.andi %gt3A_90, %gt3A : vector<128x128xi1>
        %jit3A = arith.constant 1.000000e+00 : f32
        %jit3A_91 = arith.constant 0.000000e+00 : f32
        %broadcast_in_dim3A_92 = vector.broadcast %jit3A : f32 to vector<128x128xf32>
        %broadcast_in_dim3A_93 = vector.broadcast %jit3A_91 : f32 to vector<128x128xf32>
        %select_n3A = arith.select %and3A, %broadcast_in_dim3A_92, %broadcast_in_dim3A_93 : vector<128x128xi1>, vector<128x128xf32>
        %sub3A_94 = arith.constant 1.000000e+00 : f32
        %sub3A_95 = vector.broadcast %sub3A_94 : f32 to vector<1x128xf32>
        %sub3A_96 = arith.subf %get3A_11, %sub3A_95 : vector<1x128xf32>
        %while3A:2 = scf.while (%while3A_133 = %get3A_11, %while3A_134 = %sub3A_96) : (vector<1x128xf32>, vector<1x128xf32>) -> (vector<1x128xf32>, vector<1x128xf32>) {
          %ne3A_135 = arith.cmpf one, %while3A_133, %while3A_134 : vector<1x128xf32>
          %reduce_or3A_136 = arith.constant 1.000000e+00 : f32
          %reduce_or3A_137 = arith.constant 0.000000e+00 : f32
          %reduce_or3A_138 = vector.broadcast %reduce_or3A_136 : f32 to vector<1x128xf32>
          %reduce_or3A_139 = vector.broadcast %reduce_or3A_137 : f32 to vector<1x128xf32>
          %reduce_or3A_140 = arith.select %ne3A_135, %reduce_or3A_138, %reduce_or3A_139 : vector<1x128xi1>, vector<1x128xf32>
          %reduce_or3A_141 = vector.shape_cast %reduce_or3A_140 : vector<1x128xf32> to vector<1x1x128xf32>
          %reduce_or3A_142 = arith.constant dense<0xFF800000> : vector<1xf32>
          %reduce_or3A_143 = vector.multi_reduction <maximumf>, %reduce_or3A_141, %reduce_or3A_142 [1, 2] : vector<1x1x128xf32> to vector<1xf32>
          %reduce_or3A_144 = vector.shape_cast %reduce_or3A_143 : vector<1xf32> to vector<1x1x1xf32>
          %reduce_or3A_145 = vector.extract %reduce_or3A_144[0, 0, 0] : f32 from vector<1x1x1xf32>
          %reduce_or3A_146 = arith.constant 0.000000e+00 : f32
          %reduce_or3A_147 = arith.cmpf ogt, %reduce_or3A_145, %reduce_or3A_146 : f32
          scf.condition(%reduce_or3A_147) %while3A_133, %while3A_134 : vector<1x128xf32>, vector<1x128xf32>
        } do {
        ^bb0(%while3A_133: vector<1x128xf32>, %while3A_134: vector<1x128xf32>):
          %dot_general3A = arith.constant dense<0.000000e+00> : vector<1x128xf32>
          %dot_general3A_135 = tpu.matmul %while3A_133, %select_n3A, %dot_general3A {dimension_numbers = #tpu.dot_dimension_numbers<[1], [0], [0], [1], [0, 0, 1, 1], [], []>, transpose_lhs_hint = false} : vector<1x128xf32>, vector<128x128xf32>, vector<1x128xf32> -> vector<1x128xf32>
          %eq3A = arith.constant 0.000000e+00 : f32
          %eq3A_136 = vector.broadcast %eq3A : f32 to vector<1x128xf32>
          %eq3A_137 = arith.cmpf oeq, %dot_general3A_135, %eq3A_136 : vector<1x128xf32>
          %jit3A_138 = arith.constant 1.000000e+00 : f32
          %jit3A_139 = arith.constant 0.000000e+00 : f32
          %broadcast_in_dim3A_140 = vector.broadcast %jit3A_138 : f32 to vector<1x128xf32>
          %broadcast_in_dim3A_141 = vector.broadcast %jit3A_139 : f32 to vector<1x128xf32>
          %select_n3A_142 = arith.select %eq3A_137, %broadcast_in_dim3A_140, %broadcast_in_dim3A_141 : vector<1x128xi1>, vector<1x128xf32>
          %mul3A_143 = arith.mulf %get3A_11, %select_n3A_142 : vector<1x128xf32>
          scf.yield %mul3A_143, %while3A_133 : vector<1x128xf32>, vector<1x128xf32>
        }
        %swap3A_97 = arith.index_cast %scan3A_9 : i32 to index
        %swap3A_98 = arith.constant 0 : index
        %swap3A_99 = vector.load %arg8[%swap3A_97, %swap3A_98] : memref<80x128xf32, #tpu.memory_space<vmem>>, vector<1x128xf32>
        tpu.vector_store %arg8[%swap3A_97, %swap3A_98], %while3A#0 {strides = array<i32>} : memref<80x128xf32, #tpu.memory_space<vmem>>, vector<1x128xf32>,
        %jit3A_100 = arith.constant 8 : i32
        %div3A_101 = arith.divsi %scan3A_9, %jit3A_100 : i32
        %sign3A = arith.constant 0 : i32
        %sign3A_102 = arith.cmpi sgt, %scan3A_9, %sign3A : i32
        %sign3A_103 = arith.extui %sign3A_102 : i1 to i32
        %sign3A_104 = arith.constant 0 : i32
        %sign3A_105 = arith.cmpi slt, %scan3A_9, %sign3A_104 : i32
        %sign3A_106 = arith.extui %sign3A_105 : i1 to i32
        %sign3A_107 = arith.subi %sign3A_103, %sign3A_106 : i32
        %sign3A_108 = arith.constant 0 : i32
        %sign3A_109 = arith.cmpi sgt, %jit3A_100, %sign3A_108 : i32
        %sign3A_110 = arith.extui %sign3A_109 : i1 to i32
        %sign3A_111 = arith.constant 0 : i32
        %sign3A_112 = arith.cmpi slt, %jit3A_100, %sign3A_111 : i32
        %sign3A_113 = arith.extui %sign3A_112 : i1 to i32
        %sign3A_114 = arith.subi %sign3A_110, %sign3A_113 : i32
        %ne3A = arith.cmpi ne, %sign3A_107, %sign3A_114 : i32
        %rem3A = arith.remsi %scan3A_9, %jit3A_100 : i32
        %ne3A_115 = arith.constant 0 : i32
        %ne3A_116 = arith.cmpi ne, %rem3A, %ne3A_115 : i32
        %and3A_117 = arith.andi %ne3A, %ne3A_116 : i1
        %sub3A_118 = arith.constant 1 : i32
        %sub3A_119 = arith.subi %div3A_101, %sub3A_118 : i32
        %select_n3A_120 = arith.select %and3A_117, %sub3A_119, %div3A_101 : i32
        %while3A_121 = arith.constant 10 : i32
        %while3A_122 = arith.constant 0 : i32
        %while3A_123 = arith.subi %while3A_121, %select_n3A_120 : i32
        %while3A_124 = arith.addi %select_n3A_120, %while3A_123 : i32
        %while3A_125 = arith.constant 1 : i32
        %while3A_126 = arith.divsi %while3A_123, %while3A_125 : i32
        %while3A_127 = arith.muli %while3A_126, %while3A_125 : i32
        %while3A_128 = arith.addi %select_n3A_120, %while3A_127 : i32
        %while3A_129 = arith.constant 1 : i32
        %while3A_130 = scf.for %while3A_133 = %select_n3A_120 to %while3A_128 step %while3A_129 iter_args(%while3A_134 = %while3A_122) -> (i32)  : i32 {
          %mul3A_135 = arith.constant 8 : i32
          %mul3A_136 = arith.muli %while3A_133, %mul3A_135 : i32
          %get3A_137 = arith.index_cast %mul3A_136 : i32 to index
          %get3A_138 = arith.constant 0 : index
          %get3A_139 = vector.load %arg0[%get3A_137, %get3A_138] : memref<80x128xf32, #tpu.memory_space<vmem>>, vector<8x128xf32>
          %mul3A_140 = arith.constant 8 : i32
          %mul3A_141 = arith.muli %while3A_133, %mul3A_140 : i32
          %get3A_142 = arith.index_cast %mul3A_141 : i32 to index
          %get3A_143 = arith.constant 0 : index
          %get3A_144 = vector.load %arg1[%get3A_142, %get3A_143] : memref<80x128xf32, #tpu.memory_space<vmem>>, vector<8x128xf32>
          %mul3A_145 = arith.constant 8 : i32
          %mul3A_146 = arith.muli %while3A_133, %mul3A_145 : i32
          %get3A_147 = arith.index_cast %mul3A_146 : i32 to index
          %get3A_148 = arith.constant 0 : index
          %get3A_149 = vector.load %arg2[%get3A_147, %get3A_148] : memref<80x128xf32, #tpu.memory_space<vmem>>, vector<8x128xf32>
          %mul3A_150 = arith.constant 8 : i32
          %mul3A_151 = arith.muli %while3A_133, %mul3A_150 : i32
          %get3A_152 = arith.index_cast %mul3A_151 : i32 to index
          %get3A_153 = arith.constant 0 : index
          %get3A_154 = vector.load %arg3[%get3A_152, %get3A_153] : memref<80x128xf32, #tpu.memory_space<vmem>>, vector<8x128xf32>
          %sub3A_155 = arith.subf %get3A_149, %get3A_139 : vector<8x128xf32>
          %sub3A_156 = arith.subf %get3A_154, %get3A_144 : vector<8x128xf32>
          %mul3A_157 = arith.mulf %sub3A_155, %sub3A_156 : vector<8x128xf32>
          %slice3A = vector.extract_strided_slice %get3A_139 {offsets = [0, 0], sizes = [1, 128], strides = [1, 1]} : vector<8x128xf32> to vector<1x128xf32>
          %slice3A_158 = vector.extract_strided_slice %get3A_144 {offsets = [0, 0], sizes = [1, 128], strides = [1, 1]} : vector<8x128xf32> to vector<1x128xf32>
          %slice3A_159 = vector.extract_strided_slice %get3A_149 {offsets = [0, 0], sizes = [1, 128], strides = [1, 1]} : vector<8x128xf32> to vector<1x128xf32>
          %slice3A_160 = vector.extract_strided_slice %get3A_154 {offsets = [0, 0], sizes = [1, 128], strides = [1, 1]} : vector<8x128xf32> to vector<1x128xf32>
          %slice3A_161 = vector.extract_strided_slice %mul3A_157 {offsets = [0, 0], sizes = [1, 128], strides = [1, 1]} : vector<8x128xf32> to vector<1x128xf32>
          %max3A_162 = vector.broadcast %get3A_30 : vector<128x1xf32> to vector<128x128xf32>
          %max3A_163 = vector.broadcast %slice3A : vector<1x128xf32> to vector<128x128xf32>
          %max3A_164 = arith.maximumf %max3A_162, %max3A_163 : vector<128x128xf32>
          %max3A_165 = vector.broadcast %get3A_35 : vector<128x1xf32> to vector<128x128xf32>
          %max3A_166 = vector.broadcast %slice3A_158 : vector<1x128xf32> to vector<128x128xf32>
          %max3A_167 = arith.maximumf %max3A_165, %max3A_166 : vector<128x128xf32>
          %min3A_168 = vector.broadcast %get3A_40 : vector<128x1xf32> to vector<128x128xf32>
          %min3A_169 = vector.broadcast %slice3A_159 : vector<1x128xf32> to vector<128x128xf32>
          %min3A_170 = arith.minimumf %min3A_168, %min3A_169 : vector<128x128xf32>
          %min3A_171 = vector.broadcast %get3A_45 : vector<128x1xf32> to vector<128x128xf32>
          %min3A_172 = vector.broadcast %slice3A_160 : vector<1x128xf32> to vector<128x128xf32>
          %min3A_173 = arith.minimumf %min3A_171, %min3A_172 : vector<128x128xf32>
          %sub3A_174 = arith.subf %min3A_170, %max3A_164 : vector<128x128xf32>
          %max3A_175 = arith.constant 0.000000e+00 : f32
          %max3A_176 = vector.broadcast %max3A_175 : f32 to vector<128x128xf32>
          %max3A_177 = arith.maximumf %sub3A_174, %max3A_176 : vector<128x128xf32>
          %sub3A_178 = arith.subf %min3A_173, %max3A_167 : vector<128x128xf32>
          %max3A_179 = arith.constant 0.000000e+00 : f32
          %max3A_180 = vector.broadcast %max3A_179 : f32 to vector<128x128xf32>
          %max3A_181 = arith.maximumf %sub3A_178, %max3A_180 : vector<128x128xf32>
          %mul3A_182 = arith.mulf %max3A_177, %max3A_181 : vector<128x128xf32>
          %add3A_183 = vector.broadcast %mul3A_47 : vector<128x1xf32> to vector<128x128xf32>
          %add3A_184 = vector.broadcast %slice3A_161 : vector<1x128xf32> to vector<128x128xf32>
          %add3A_185 = arith.addf %add3A_183, %add3A_184 : vector<128x128xf32>
          %sub3A_186 = arith.subf %add3A_185, %mul3A_182 : vector<128x128xf32>
          %add3A_187 = arith.constant 9.99999971E-10 : f32
          %add3A_188 = vector.broadcast %add3A_187 : f32 to vector<128x128xf32>
          %add3A_189 = arith.addf %sub3A_186, %add3A_188 : vector<128x128xf32>
          %div3A_190 = arith.divf %mul3A_182, %add3A_189 : vector<128x128xf32>
          %gt3A_191 = arith.constant 0.699999988 : f32
          %gt3A_192 = vector.broadcast %gt3A_191 : f32 to vector<128x128xf32>
          %gt3A_193 = arith.cmpf ogt, %div3A_190, %gt3A_192 : vector<128x128xf32>
          %jit3A_194 = arith.constant 1.000000e+00 : f32
          %jit3A_195 = arith.constant 0.000000e+00 : f32
          %broadcast_in_dim3A_196 = vector.broadcast %jit3A_194 : f32 to vector<128x128xf32>
          %broadcast_in_dim3A_197 = vector.broadcast %jit3A_195 : f32 to vector<128x128xf32>
          %select_n3A_198 = arith.select %gt3A_193, %broadcast_in_dim3A_196, %broadcast_in_dim3A_197 : vector<128x128xi1>, vector<128x128xf32>
          %dot_general3A = arith.constant dense<0.000000e+00> : vector<1x128xf32>
          %dot_general3A_199 = tpu.matmul %while3A#0, %select_n3A_198, %dot_general3A {dimension_numbers = #tpu.dot_dimension_numbers<[1], [0], [0], [1], [0, 0, 1, 1], [], []>, transpose_lhs_hint = false} : vector<1x128xf32>, vector<128x128xf32>, vector<1x128xf32> -> vector<1x128xf32>
          %slice3A_200 = vector.extract_strided_slice %get3A_139 {offsets = [1, 0], sizes = [1, 128], strides = [1, 1]} : vector<8x128xf32> to vector<1x128xf32>
          %slice3A_201 = vector.extract_strided_slice %get3A_144 {offsets = [1, 0], sizes = [1, 128], strides = [1, 1]} : vector<8x128xf32> to vector<1x128xf32>
          %slice3A_202 = vector.extract_strided_slice %get3A_149 {offsets = [1, 0], sizes = [1, 128], strides = [1, 1]} : vector<8x128xf32> to vector<1x128xf32>
          %slice3A_203 = vector.extract_strided_slice %get3A_154 {offsets = [1, 0], sizes = [1, 128], strides = [1, 1]} : vector<8x128xf32> to vector<1x128xf32>
          %slice3A_204 = vector.extract_strided_slice %mul3A_157 {offsets = [1, 0], sizes = [1, 128], strides = [1, 1]} : vector<8x128xf32> to vector<1x128xf32>
          %max3A_205 = vector.broadcast %get3A_30 : vector<128x1xf32> to vector<128x128xf32>
          %max3A_206 = vector.broadcast %slice3A_200 : vector<1x128xf32> to vector<128x128xf32>
          %max3A_207 = arith.maximumf %max3A_205, %max3A_206 : vector<128x128xf32>
          %max3A_208 = vector.broadcast %get3A_35 : vector<128x1xf32> to vector<128x128xf32>
          %max3A_209 = vector.broadcast %slice3A_201 : vector<1x128xf32> to vector<128x128xf32>
          %max3A_210 = arith.maximumf %max3A_208, %max3A_209 : vector<128x128xf32>
          %min3A_211 = vector.broadcast %get3A_40 : vector<128x1xf32> to vector<128x128xf32>
          %min3A_212 = vector.broadcast %slice3A_202 : vector<1x128xf32> to vector<128x128xf32>
          %min3A_213 = arith.minimumf %min3A_211, %min3A_212 : vector<128x128xf32>
          %min3A_214 = vector.broadcast %get3A_45 : vector<128x1xf32> to vector<128x128xf32>
          %min3A_215 = vector.broadcast %slice3A_203 : vector<1x128xf32> to vector<128x128xf32>
          %min3A_216 = arith.minimumf %min3A_214, %min3A_215 : vector<128x128xf32>
          %sub3A_217 = arith.subf %min3A_213, %max3A_207 : vector<128x128xf32>
          %max3A_218 = arith.constant 0.000000e+00 : f32
          %max3A_219 = vector.broadcast %max3A_218 : f32 to vector<128x128xf32>
          %max3A_220 = arith.maximumf %sub3A_217, %max3A_219 : vector<128x128xf32>
          %sub3A_221 = arith.subf %min3A_216, %max3A_210 : vector<128x128xf32>
          %max3A_222 = arith.constant 0.000000e+00 : f32
          %max3A_223 = vector.broadcast %max3A_222 : f32 to vector<128x128xf32>
          %max3A_224 = arith.maximumf %sub3A_221, %max3A_223 : vector<128x128xf32>
          %mul3A_225 = arith.mulf %max3A_220, %max3A_224 : vector<128x128xf32>
          %add3A_226 = vector.broadcast %mul3A_47 : vector<128x1xf32> to vector<128x128xf32>
          %add3A_227 = vector.broadcast %slice3A_204 : vector<1x128xf32> to vector<128x128xf32>
          %add3A_228 = arith.addf %add3A_226, %add3A_227 : vector<128x128xf32>
          %sub3A_229 = arith.subf %add3A_228, %mul3A_225 : vector<128x128xf32>
          %add3A_230 = arith.constant 9.99999971E-10 : f32
          %add3A_231 = vector.broadcast %add3A_230 : f32 to vector<128x128xf32>
          %add3A_232 = arith.addf %sub3A_229, %add3A_231 : vector<128x128xf32>
          %div3A_233 = arith.divf %mul3A_225, %add3A_232 : vector<128x128xf32>
          %gt3A_234 = arith.constant 0.699999988 : f32
          %gt3A_235 = vector.broadcast %gt3A_234 : f32 to vector<128x128xf32>
          %gt3A_236 = arith.cmpf ogt, %div3A_233, %gt3A_235 : vector<128x128xf32>
          %jit3A_237 = arith.constant 1.000000e+00 : f32
          %jit3A_238 = arith.constant 0.000000e+00 : f32
          %broadcast_in_dim3A_239 = vector.broadcast %jit3A_237 : f32 to vector<128x128xf32>
          %broadcast_in_dim3A_240 = vector.broadcast %jit3A_238 : f32 to vector<128x128xf32>
          %select_n3A_241 = arith.select %gt3A_236, %broadcast_in_dim3A_239, %broadcast_in_dim3A_240 : vector<128x128xi1>, vector<128x128xf32>
          %dot_general3A_242 = arith.constant dense<0.000000e+00> : vector<1x128xf32>
          %dot_general3A_243 = tpu.matmul %while3A#0, %select_n3A_241, %dot_general3A_242 {dimension_numbers = #tpu.dot_dimension_numbers<[1], [0], [0], [1], [0, 0, 1, 1], [], []>, transpose_lhs_hint = false} : vector<1x128xf32>, vector<128x128xf32>, vector<1x128xf32> -> vector<1x128xf32>
          %slice3A_244 = vector.extract_strided_slice %get3A_139 {offsets = [2, 0], sizes = [1, 128], strides = [1, 1]} : vector<8x128xf32> to vector<1x128xf32>
          %slice3A_245 = vector.extract_strided_slice %get3A_144 {offsets = [2, 0], sizes = [1, 128], strides = [1, 1]} : vector<8x128xf32> to vector<1x128xf32>
          %slice3A_246 = vector.extract_strided_slice %get3A_149 {offsets = [2, 0], sizes = [1, 128], strides = [1, 1]} : vector<8x128xf32> to vector<1x128xf32>
          %slice3A_247 = vector.extract_strided_slice %get3A_154 {offsets = [2, 0], sizes = [1, 128], strides = [1, 1]} : vector<8x128xf32> to vector<1x128xf32>
          %slice3A_248 = vector.extract_strided_slice %mul3A_157 {offsets = [2, 0], sizes = [1, 128], strides = [1, 1]} : vector<8x128xf32> to vector<1x128xf32>
          %max3A_249 = vector.broadcast %get3A_30 : vector<128x1xf32> to vector<128x128xf32>
          %max3A_250 = vector.broadcast %slice3A_244 : vector<1x128xf32> to vector<128x128xf32>
          %max3A_251 = arith.maximumf %max3A_249, %max3A_250 : vector<128x128xf32>
          %max3A_252 = vector.broadcast %get3A_35 : vector<128x1xf32> to vector<128x128xf32>
          %max3A_253 = vector.broadcast %slice3A_245 : vector<1x128xf32> to vector<128x128xf32>
          %max3A_254 = arith.maximumf %max3A_252, %max3A_253 : vector<128x128xf32>
          %min3A_255 = vector.broadcast %get3A_40 : vector<128x1xf32> to vector<128x128xf32>
          %min3A_256 = vector.broadcast %slice3A_246 : vector<1x128xf32> to vector<128x128xf32>
          %min3A_257 = arith.minimumf %min3A_255, %min3A_256 : vector<128x128xf32>
          %min3A_258 = vector.broadcast %get3A_45 : vector<128x1xf32> to vector<128x128xf32>
          %min3A_259 = vector.broadcast %slice3A_247 : vector<1x128xf32> to vector<128x128xf32>
          %min3A_260 = arith.minimumf %min3A_258, %min3A_259 : vector<128x128xf32>
          %sub3A_261 = arith.subf %min3A_257, %max3A_251 : vector<128x128xf32>
          %max3A_262 = arith.constant 0.000000e+00 : f32
          %max3A_263 = vector.broadcast %max3A_262 : f32 to vector<128x128xf32>
          %max3A_264 = arith.maximumf %sub3A_261, %max3A_263 : vector<128x128xf32>
          %sub3A_265 = arith.subf %min3A_260, %max3A_254 : vector<128x128xf32>
          %max3A_266 = arith.constant 0.000000e+00 : f32
          %max3A_267 = vector.broadcast %max3A_266 : f32 to vector<128x128xf32>
          %max3A_268 = arith.maximumf %sub3A_265, %max3A_267 : vector<128x128xf32>
          %mul3A_269 = arith.mulf %max3A_264, %max3A_268 : vector<128x128xf32>
          %add3A_270 = vector.broadcast %mul3A_47 : vector<128x1xf32> to vector<128x128xf32>
          %add3A_271 = vector.broadcast %slice3A_248 : vector<1x128xf32> to vector<128x128xf32>
          %add3A_272 = arith.addf %add3A_270, %add3A_271 : vector<128x128xf32>
          %sub3A_273 = arith.subf %add3A_272, %mul3A_269 : vector<128x128xf32>
          %add3A_274 = arith.constant 9.99999971E-10 : f32
          %add3A_275 = vector.broadcast %add3A_274 : f32 to vector<128x128xf32>
          %add3A_276 = arith.addf %sub3A_273, %add3A_275 : vector<128x128xf32>
          %div3A_277 = arith.divf %mul3A_269, %add3A_276 : vector<128x128xf32>
          %gt3A_278 = arith.constant 0.699999988 : f32
          %gt3A_279 = vector.broadcast %gt3A_278 : f32 to vector<128x128xf32>
          %gt3A_280 = arith.cmpf ogt, %div3A_277, %gt3A_279 : vector<128x128xf32>
          %jit3A_281 = arith.constant 1.000000e+00 : f32
          %jit3A_282 = arith.constant 0.000000e+00 : f32
          %broadcast_in_dim3A_283 = vector.broadcast %jit3A_281 : f32 to vector<128x128xf32>
          %broadcast_in_dim3A_284 = vector.broadcast %jit3A_282 : f32 to vector<128x128xf32>
          %select_n3A_285 = arith.select %gt3A_280, %broadcast_in_dim3A_283, %broadcast_in_dim3A_284 : vector<128x128xi1>, vector<128x128xf32>
          %dot_general3A_286 = arith.constant dense<0.000000e+00> : vector<1x128xf32>
          %dot_general3A_287 = tpu.matmul %while3A#0, %select_n3A_285, %dot_general3A_286 {dimension_numbers = #tpu.dot_dimension_numbers<[1], [0], [0], [1], [0, 0, 1, 1], [], []>, transpose_lhs_hint = false} : vector<1x128xf32>, vector<128x128xf32>, vector<1x128xf32> -> vector<1x128xf32>
          %slice3A_288 = vector.extract_strided_slice %get3A_139 {offsets = [3, 0], sizes = [1, 128], strides = [1, 1]} : vector<8x128xf32> to vector<1x128xf32>
          %slice3A_289 = vector.extract_strided_slice %get3A_144 {offsets = [3, 0], sizes = [1, 128], strides = [1, 1]} : vector<8x128xf32> to vector<1x128xf32>
          %slice3A_290 = vector.extract_strided_slice %get3A_149 {offsets = [3, 0], sizes = [1, 128], strides = [1, 1]} : vector<8x128xf32> to vector<1x128xf32>
          %slice3A_291 = vector.extract_strided_slice %get3A_154 {offsets = [3, 0], sizes = [1, 128], strides = [1, 1]} : vector<8x128xf32> to vector<1x128xf32>
          %slice3A_292 = vector.extract_strided_slice %mul3A_157 {offsets = [3, 0], sizes = [1, 128], strides = [1, 1]} : vector<8x128xf32> to vector<1x128xf32>
          %max3A_293 = vector.broadcast %get3A_30 : vector<128x1xf32> to vector<128x128xf32>
          %max3A_294 = vector.broadcast %slice3A_288 : vector<1x128xf32> to vector<128x128xf32>
          %max3A_295 = arith.maximumf %max3A_293, %max3A_294 : vector<128x128xf32>
          %max3A_296 = vector.broadcast %get3A_35 : vector<128x1xf32> to vector<128x128xf32>
          %max3A_297 = vector.broadcast %slice3A_289 : vector<1x128xf32> to vector<128x128xf32>
          %max3A_298 = arith.maximumf %max3A_296, %max3A_297 : vector<128x128xf32>
          %min3A_299 = vector.broadcast %get3A_40 : vector<128x1xf32> to vector<128x128xf32>
          %min3A_300 = vector.broadcast %slice3A_290 : vector<1x128xf32> to vector<128x128xf32>
          %min3A_301 = arith.minimumf %min3A_299, %min3A_300 : vector<128x128xf32>
          %min3A_302 = vector.broadcast %get3A_45 : vector<128x1xf32> to vector<128x128xf32>
          %min3A_303 = vector.broadcast %slice3A_291 : vector<1x128xf32> to vector<128x128xf32>
          %min3A_304 = arith.minimumf %min3A_302, %min3A_303 : vector<128x128xf32>
          %sub3A_305 = arith.subf %min3A_301, %max3A_295 : vector<128x128xf32>
          %max3A_306 = arith.constant 0.000000e+00 : f32
          %max3A_307 = vector.broadcast %max3A_306 : f32 to vector<128x128xf32>
          %max3A_308 = arith.maximumf %sub3A_305, %max3A_307 : vector<128x128xf32>
          %sub3A_309 = arith.subf %min3A_304, %max3A_298 : vector<128x128xf32>
          %max3A_310 = arith.constant 0.000000e+00 : f32
          %max3A_311 = vector.broadcast %max3A_310 : f32 to vector<128x128xf32>
          %max3A_312 = arith.maximumf %sub3A_309, %max3A_311 : vector<128x128xf32>
          %mul3A_313 = arith.mulf %max3A_308, %max3A_312 : vector<128x128xf32>
          %add3A_314 = vector.broadcast %mul3A_47 : vector<128x1xf32> to vector<128x128xf32>
          %add3A_315 = vector.broadcast %slice3A_292 : vector<1x128xf32> to vector<128x128xf32>
          %add3A_316 = arith.addf %add3A_314, %add3A_315 : vector<128x128xf32>
          %sub3A_317 = arith.subf %add3A_316, %mul3A_313 : vector<128x128xf32>
          %add3A_318 = arith.constant 9.99999971E-10 : f32
          %add3A_319 = vector.broadcast %add3A_318 : f32 to vector<128x128xf32>
          %add3A_320 = arith.addf %sub3A_317, %add3A_319 : vector<128x128xf32>
          %div3A_321 = arith.divf %mul3A_313, %add3A_320 : vector<128x128xf32>
          %gt3A_322 = arith.constant 0.699999988 : f32
          %gt3A_323 = vector.broadcast %gt3A_322 : f32 to vector<128x128xf32>
          %gt3A_324 = arith.cmpf ogt, %div3A_321, %gt3A_323 : vector<128x128xf32>
          %jit3A_325 = arith.constant 1.000000e+00 : f32
          %jit3A_326 = arith.constant 0.000000e+00 : f32
          %broadcast_in_dim3A_327 = vector.broadcast %jit3A_325 : f32 to vector<128x128xf32>
          %broadcast_in_dim3A_328 = vector.broadcast %jit3A_326 : f32 to vector<128x128xf32>
          %select_n3A_329 = arith.select %gt3A_324, %broadcast_in_dim3A_327, %broadcast_in_dim3A_328 : vector<128x128xi1>, vector<128x128xf32>
          %dot_general3A_330 = arith.constant dense<0.000000e+00> : vector<1x128xf32>
          %dot_general3A_331 = tpu.matmul %while3A#0, %select_n3A_329, %dot_general3A_330 {dimension_numbers = #tpu.dot_dimension_numbers<[1], [0], [0], [1], [0, 0, 1, 1], [], []>, transpose_lhs_hint = false} : vector<1x128xf32>, vector<128x128xf32>, vector<1x128xf32> -> vector<1x128xf32>
          %slice3A_332 = vector.extract_strided_slice %get3A_139 {offsets = [4, 0], sizes = [1, 128], strides = [1, 1]} : vector<8x128xf32> to vector<1x128xf32>
          %slice3A_333 = vector.extract_strided_slice %get3A_144 {offsets = [4, 0], sizes = [1, 128], strides = [1, 1]} : vector<8x128xf32> to vector<1x128xf32>
          %slice3A_334 = vector.extract_strided_slice %get3A_149 {offsets = [4, 0], sizes = [1, 128], strides = [1, 1]} : vector<8x128xf32> to vector<1x128xf32>
          %slice3A_335 = vector.extract_strided_slice %get3A_154 {offsets = [4, 0], sizes = [1, 128], strides = [1, 1]} : vector<8x128xf32> to vector<1x128xf32>
          %slice3A_336 = vector.extract_strided_slice %mul3A_157 {offsets = [4, 0], sizes = [1, 128], strides = [1, 1]} : vector<8x128xf32> to vector<1x128xf32>
          %max3A_337 = vector.broadcast %get3A_30 : vector<128x1xf32> to vector<128x128xf32>
          %max3A_338 = vector.broadcast %slice3A_332 : vector<1x128xf32> to vector<128x128xf32>
          %max3A_339 = arith.maximumf %max3A_337, %max3A_338 : vector<128x128xf32>
          %max3A_340 = vector.broadcast %get3A_35 : vector<128x1xf32> to vector<128x128xf32>
          %max3A_341 = vector.broadcast %slice3A_333 : vector<1x128xf32> to vector<128x128xf32>
          %max3A_342 = arith.maximumf %max3A_340, %max3A_341 : vector<128x128xf32>
          %min3A_343 = vector.broadcast %get3A_40 : vector<128x1xf32> to vector<128x128xf32>
          %min3A_344 = vector.broadcast %slice3A_334 : vector<1x128xf32> to vector<128x128xf32>
          %min3A_345 = arith.minimumf %min3A_343, %min3A_344 : vector<128x128xf32>
          %min3A_346 = vector.broadcast %get3A_45 : vector<128x1xf32> to vector<128x128xf32>
          %min3A_347 = vector.broadcast %slice3A_335 : vector<1x128xf32> to vector<128x128xf32>
          %min3A_348 = arith.minimumf %min3A_346, %min3A_347 : vector<128x128xf32>
          %sub3A_349 = arith.subf %min3A_345, %max3A_339 : vector<128x128xf32>
          %max3A_350 = arith.constant 0.000000e+00 : f32
          %max3A_351 = vector.broadcast %max3A_350 : f32 to vector<128x128xf32>
          %max3A_352 = arith.maximumf %sub3A_349, %max3A_351 : vector<128x128xf32>
          %sub3A_353 = arith.subf %min3A_348, %max3A_342 : vector<128x128xf32>
          %max3A_354 = arith.constant 0.000000e+00 : f32
          %max3A_355 = vector.broadcast %max3A_354 : f32 to vector<128x128xf32>
          %max3A_356 = arith.maximumf %sub3A_353, %max3A_355 : vector<128x128xf32>
          %mul3A_357 = arith.mulf %max3A_352, %max3A_356 : vector<128x128xf32>
          %add3A_358 = vector.broadcast %mul3A_47 : vector<128x1xf32> to vector<128x128xf32>
          %add3A_359 = vector.broadcast %slice3A_336 : vector<1x128xf32> to vector<128x128xf32>
          %add3A_360 = arith.addf %add3A_358, %add3A_359 : vector<128x128xf32>
          %sub3A_361 = arith.subf %add3A_360, %mul3A_357 : vector<128x128xf32>
          %add3A_362 = arith.constant 9.99999971E-10 : f32
          %add3A_363 = vector.broadcast %add3A_362 : f32 to vector<128x128xf32>
          %add3A_364 = arith.addf %sub3A_361, %add3A_363 : vector<128x128xf32>
          %div3A_365 = arith.divf %mul3A_357, %add3A_364 : vector<128x128xf32>
          %gt3A_366 = arith.constant 0.699999988 : f32
          %gt3A_367 = vector.broadcast %gt3A_366 : f32 to vector<128x128xf32>
          %gt3A_368 = arith.cmpf ogt, %div3A_365, %gt3A_367 : vector<128x128xf32>
          %jit3A_369 = arith.constant 1.000000e+00 : f32
          %jit3A_370 = arith.constant 0.000000e+00 : f32
          %broadcast_in_dim3A_371 = vector.broadcast %jit3A_369 : f32 to vector<128x128xf32>
          %broadcast_in_dim3A_372 = vector.broadcast %jit3A_370 : f32 to vector<128x128xf32>
          %select_n3A_373 = arith.select %gt3A_368, %broadcast_in_dim3A_371, %broadcast_in_dim3A_372 : vector<128x128xi1>, vector<128x128xf32>
          %dot_general3A_374 = arith.constant dense<0.000000e+00> : vector<1x128xf32>
          %dot_general3A_375 = tpu.matmul %while3A#0, %select_n3A_373, %dot_general3A_374 {dimension_numbers = #tpu.dot_dimension_numbers<[1], [0], [0], [1], [0, 0, 1, 1], [], []>, transpose_lhs_hint = false} : vector<1x128xf32>, vector<128x128xf32>, vector<1x128xf32> -> vector<1x128xf32>
          %slice3A_376 = vector.extract_strided_slice %get3A_139 {offsets = [5, 0], sizes = [1, 128], strides = [1, 1]} : vector<8x128xf32> to vector<1x128xf32>
          %slice3A_377 = vector.extract_strided_slice %get3A_144 {offsets = [5, 0], sizes = [1, 128], strides = [1, 1]} : vector<8x128xf32> to vector<1x128xf32>
          %slice3A_378 = vector.extract_strided_slice %get3A_149 {offsets = [5, 0], sizes = [1, 128], strides = [1, 1]} : vector<8x128xf32> to vector<1x128xf32>
          %slice3A_379 = vector.extract_strided_slice %get3A_154 {offsets = [5, 0], sizes = [1, 128], strides = [1, 1]} : vector<8x128xf32> to vector<1x128xf32>
          %slice3A_380 = vector.extract_strided_slice %mul3A_157 {offsets = [5, 0], sizes = [1, 128], strides = [1, 1]} : vector<8x128xf32> to vector<1x128xf32>
          %max3A_381 = vector.broadcast %get3A_30 : vector<128x1xf32> to vector<128x128xf32>
          %max3A_382 = vector.broadcast %slice3A_376 : vector<1x128xf32> to vector<128x128xf32>
          %max3A_383 = arith.maximumf %max3A_381, %max3A_382 : vector<128x128xf32>
          %max3A_384 = vector.broadcast %get3A_35 : vector<128x1xf32> to vector<128x128xf32>
          %max3A_385 = vector.broadcast %slice3A_377 : vector<1x128xf32> to vector<128x128xf32>
          %max3A_386 = arith.maximumf %max3A_384, %max3A_385 : vector<128x128xf32>
          %min3A_387 = vector.broadcast %get3A_40 : vector<128x1xf32> to vector<128x128xf32>
          %min3A_388 = vector.broadcast %slice3A_378 : vector<1x128xf32> to vector<128x128xf32>
          %min3A_389 = arith.minimumf %min3A_387, %min3A_388 : vector<128x128xf32>
          %min3A_390 = vector.broadcast %get3A_45 : vector<128x1xf32> to vector<128x128xf32>
          %min3A_391 = vector.broadcast %slice3A_379 : vector<1x128xf32> to vector<128x128xf32>
          %min3A_392 = arith.minimumf %min3A_390, %min3A_391 : vector<128x128xf32>
          %sub3A_393 = arith.subf %min3A_389, %max3A_383 : vector<128x128xf32>
          %max3A_394 = arith.constant 0.000000e+00 : f32
          %max3A_395 = vector.broadcast %max3A_394 : f32 to vector<128x128xf32>
          %max3A_396 = arith.maximumf %sub3A_393, %max3A_395 : vector<128x128xf32>
          %sub3A_397 = arith.subf %min3A_392, %max3A_386 : vector<128x128xf32>
          %max3A_398 = arith.constant 0.000000e+00 : f32
          %max3A_399 = vector.broadcast %max3A_398 : f32 to vector<128x128xf32>
          %max3A_400 = arith.maximumf %sub3A_397, %max3A_399 : vector<128x128xf32>
          %mul3A_401 = arith.mulf %max3A_396, %max3A_400 : vector<128x128xf32>
          %add3A_402 = vector.broadcast %mul3A_47 : vector<128x1xf32> to vector<128x128xf32>
          %add3A_403 = vector.broadcast %slice3A_380 : vector<1x128xf32> to vector<128x128xf32>
          %add3A_404 = arith.addf %add3A_402, %add3A_403 : vector<128x128xf32>
          %sub3A_405 = arith.subf %add3A_404, %mul3A_401 : vector<128x128xf32>
          %add3A_406 = arith.constant 9.99999971E-10 : f32
          %add3A_407 = vector.broadcast %add3A_406 : f32 to vector<128x128xf32>
          %add3A_408 = arith.addf %sub3A_405, %add3A_407 : vector<128x128xf32>
          %div3A_409 = arith.divf %mul3A_401, %add3A_408 : vector<128x128xf32>
          %gt3A_410 = arith.constant 0.699999988 : f32
          %gt3A_411 = vector.broadcast %gt3A_410 : f32 to vector<128x128xf32>
          %gt3A_412 = arith.cmpf ogt, %div3A_409, %gt3A_411 : vector<128x128xf32>
          %jit3A_413 = arith.constant 1.000000e+00 : f32
          %jit3A_414 = arith.constant 0.000000e+00 : f32
          %broadcast_in_dim3A_415 = vector.broadcast %jit3A_413 : f32 to vector<128x128xf32>
          %broadcast_in_dim3A_416 = vector.broadcast %jit3A_414 : f32 to vector<128x128xf32>
          %select_n3A_417 = arith.select %gt3A_412, %broadcast_in_dim3A_415, %broadcast_in_dim3A_416 : vector<128x128xi1>, vector<128x128xf32>
          %dot_general3A_418 = arith.constant dense<0.000000e+00> : vector<1x128xf32>
          %dot_general3A_419 = tpu.matmul %while3A#0, %select_n3A_417, %dot_general3A_418 {dimension_numbers = #tpu.dot_dimension_numbers<[1], [0], [0], [1], [0, 0, 1, 1], [], []>, transpose_lhs_hint = false} : vector<1x128xf32>, vector<128x128xf32>, vector<1x128xf32> -> vector<1x128xf32>
          %slice3A_420 = vector.extract_strided_slice %get3A_139 {offsets = [6, 0], sizes = [1, 128], strides = [1, 1]} : vector<8x128xf32> to vector<1x128xf32>
          %slice3A_421 = vector.extract_strided_slice %get3A_144 {offsets = [6, 0], sizes = [1, 128], strides = [1, 1]} : vector<8x128xf32> to vector<1x128xf32>
          %slice3A_422 = vector.extract_strided_slice %get3A_149 {offsets = [6, 0], sizes = [1, 128], strides = [1, 1]} : vector<8x128xf32> to vector<1x128xf32>
          %slice3A_423 = vector.extract_strided_slice %get3A_154 {offsets = [6, 0], sizes = [1, 128], strides = [1, 1]} : vector<8x128xf32> to vector<1x128xf32>
          %slice3A_424 = vector.extract_strided_slice %mul3A_157 {offsets = [6, 0], sizes = [1, 128], strides = [1, 1]} : vector<8x128xf32> to vector<1x128xf32>
          %max3A_425 = vector.broadcast %get3A_30 : vector<128x1xf32> to vector<128x128xf32>
          %max3A_426 = vector.broadcast %slice3A_420 : vector<1x128xf32> to vector<128x128xf32>
          %max3A_427 = arith.maximumf %max3A_425, %max3A_426 : vector<128x128xf32>
          %max3A_428 = vector.broadcast %get3A_35 : vector<128x1xf32> to vector<128x128xf32>
          %max3A_429 = vector.broadcast %slice3A_421 : vector<1x128xf32> to vector<128x128xf32>
          %max3A_430 = arith.maximumf %max3A_428, %max3A_429 : vector<128x128xf32>
          %min3A_431 = vector.broadcast %get3A_40 : vector<128x1xf32> to vector<128x128xf32>
          %min3A_432 = vector.broadcast %slice3A_422 : vector<1x128xf32> to vector<128x128xf32>
          %min3A_433 = arith.minimumf %min3A_431, %min3A_432 : vector<128x128xf32>
          %min3A_434 = vector.broadcast %get3A_45 : vector<128x1xf32> to vector<128x128xf32>
          %min3A_435 = vector.broadcast %slice3A_423 : vector<1x128xf32> to vector<128x128xf32>
          %min3A_436 = arith.minimumf %min3A_434, %min3A_435 : vector<128x128xf32>
          %sub3A_437 = arith.subf %min3A_433, %max3A_427 : vector<128x128xf32>
          %max3A_438 = arith.constant 0.000000e+00 : f32
          %max3A_439 = vector.broadcast %max3A_438 : f32 to vector<128x128xf32>
          %max3A_440 = arith.maximumf %sub3A_437, %max3A_439 : vector<128x128xf32>
          %sub3A_441 = arith.subf %min3A_436, %max3A_430 : vector<128x128xf32>
          %max3A_442 = arith.constant 0.000000e+00 : f32
          %max3A_443 = vector.broadcast %max3A_442 : f32 to vector<128x128xf32>
          %max3A_444 = arith.maximumf %sub3A_441, %max3A_443 : vector<128x128xf32>
          %mul3A_445 = arith.mulf %max3A_440, %max3A_444 : vector<128x128xf32>
          %add3A_446 = vector.broadcast %mul3A_47 : vector<128x1xf32> to vector<128x128xf32>
          %add3A_447 = vector.broadcast %slice3A_424 : vector<1x128xf32> to vector<128x128xf32>
          %add3A_448 = arith.addf %add3A_446, %add3A_447 : vector<128x128xf32>
          %sub3A_449 = arith.subf %add3A_448, %mul3A_445 : vector<128x128xf32>
          %add3A_450 = arith.constant 9.99999971E-10 : f32
          %add3A_451 = vector.broadcast %add3A_450 : f32 to vector<128x128xf32>
          %add3A_452 = arith.addf %sub3A_449, %add3A_451 : vector<128x128xf32>
          %div3A_453 = arith.divf %mul3A_445, %add3A_452 : vector<128x128xf32>
          %gt3A_454 = arith.constant 0.699999988 : f32
          %gt3A_455 = vector.broadcast %gt3A_454 : f32 to vector<128x128xf32>
          %gt3A_456 = arith.cmpf ogt, %div3A_453, %gt3A_455 : vector<128x128xf32>
          %jit3A_457 = arith.constant 1.000000e+00 : f32
          %jit3A_458 = arith.constant 0.000000e+00 : f32
          %broadcast_in_dim3A_459 = vector.broadcast %jit3A_457 : f32 to vector<128x128xf32>
          %broadcast_in_dim3A_460 = vector.broadcast %jit3A_458 : f32 to vector<128x128xf32>
          %select_n3A_461 = arith.select %gt3A_456, %broadcast_in_dim3A_459, %broadcast_in_dim3A_460 : vector<128x128xi1>, vector<128x128xf32>
          %dot_general3A_462 = arith.constant dense<0.000000e+00> : vector<1x128xf32>
          %dot_general3A_463 = tpu.matmul %while3A#0, %select_n3A_461, %dot_general3A_462 {dimension_numbers = #tpu.dot_dimension_numbers<[1], [0], [0], [1], [0, 0, 1, 1], [], []>, transpose_lhs_hint = false} : vector<1x128xf32>, vector<128x128xf32>, vector<1x128xf32> -> vector<1x128xf32>
          %slice3A_464 = vector.extract_strided_slice %get3A_139 {offsets = [7, 0], sizes = [1, 128], strides = [1, 1]} : vector<8x128xf32> to vector<1x128xf32>
          %slice3A_465 = vector.extract_strided_slice %get3A_144 {offsets = [7, 0], sizes = [1, 128], strides = [1, 1]} : vector<8x128xf32> to vector<1x128xf32>
          %slice3A_466 = vector.extract_strided_slice %get3A_149 {offsets = [7, 0], sizes = [1, 128], strides = [1, 1]} : vector<8x128xf32> to vector<1x128xf32>
          %slice3A_467 = vector.extract_strided_slice %get3A_154 {offsets = [7, 0], sizes = [1, 128], strides = [1, 1]} : vector<8x128xf32> to vector<1x128xf32>
          %slice3A_468 = vector.extract_strided_slice %mul3A_157 {offsets = [7, 0], sizes = [1, 128], strides = [1, 1]} : vector<8x128xf32> to vector<1x128xf32>
          %max3A_469 = vector.broadcast %get3A_30 : vector<128x1xf32> to vector<128x128xf32>
          %max3A_470 = vector.broadcast %slice3A_464 : vector<1x128xf32> to vector<128x128xf32>
          %max3A_471 = arith.maximumf %max3A_469, %max3A_470 : vector<128x128xf32>
          %max3A_472 = vector.broadcast %get3A_35 : vector<128x1xf32> to vector<128x128xf32>
          %max3A_473 = vector.broadcast %slice3A_465 : vector<1x128xf32> to vector<128x128xf32>
          %max3A_474 = arith.maximumf %max3A_472, %max3A_473 : vector<128x128xf32>
          %min3A_475 = vector.broadcast %get3A_40 : vector<128x1xf32> to vector<128x128xf32>
          %min3A_476 = vector.broadcast %slice3A_466 : vector<1x128xf32> to vector<128x128xf32>
          %min3A_477 = arith.minimumf %min3A_475, %min3A_476 : vector<128x128xf32>
          %min3A_478 = vector.broadcast %get3A_45 : vector<128x1xf32> to vector<128x128xf32>
          %min3A_479 = vector.broadcast %slice3A_467 : vector<1x128xf32> to vector<128x128xf32>
          %min3A_480 = arith.minimumf %min3A_478, %min3A_479 : vector<128x128xf32>
          %sub3A_481 = arith.subf %min3A_477, %max3A_471 : vector<128x128xf32>
          %max3A_482 = arith.constant 0.000000e+00 : f32
          %max3A_483 = vector.broadcast %max3A_482 : f32 to vector<128x128xf32>
          %max3A_484 = arith.maximumf %sub3A_481, %max3A_483 : vector<128x128xf32>
          %sub3A_485 = arith.subf %min3A_480, %max3A_474 : vector<128x128xf32>
          %max3A_486 = arith.constant 0.000000e+00 : f32
          %max3A_487 = vector.broadcast %max3A_486 : f32 to vector<128x128xf32>
          %max3A_488 = arith.maximumf %sub3A_485, %max3A_487 : vector<128x128xf32>
          %mul3A_489 = arith.mulf %max3A_484, %max3A_488 : vector<128x128xf32>
          %add3A_490 = vector.broadcast %mul3A_47 : vector<128x1xf32> to vector<128x128xf32>
          %add3A_491 = vector.broadcast %slice3A_468 : vector<1x128xf32> to vector<128x128xf32>
          %add3A_492 = arith.addf %add3A_490, %add3A_491 : vector<128x128xf32>
          %sub3A_493 = arith.subf %add3A_492, %mul3A_489 : vector<128x128xf32>
          %add3A_494 = arith.constant 9.99999971E-10 : f32
          %add3A_495 = vector.broadcast %add3A_494 : f32 to vector<128x128xf32>
          %add3A_496 = arith.addf %sub3A_493, %add3A_495 : vector<128x128xf32>
          %div3A_497 = arith.divf %mul3A_489, %add3A_496 : vector<128x128xf32>
          %gt3A_498 = arith.constant 0.699999988 : f32
          %gt3A_499 = vector.broadcast %gt3A_498 : f32 to vector<128x128xf32>
          %gt3A_500 = arith.cmpf ogt, %div3A_497, %gt3A_499 : vector<128x128xf32>
          %jit3A_501 = arith.constant 1.000000e+00 : f32
          %jit3A_502 = arith.constant 0.000000e+00 : f32
          %broadcast_in_dim3A_503 = vector.broadcast %jit3A_501 : f32 to vector<128x128xf32>
          %broadcast_in_dim3A_504 = vector.broadcast %jit3A_502 : f32 to vector<128x128xf32>
          %select_n3A_505 = arith.select %gt3A_500, %broadcast_in_dim3A_503, %broadcast_in_dim3A_504 : vector<128x128xi1>, vector<128x128xf32>
          %dot_general3A_506 = arith.constant dense<0.000000e+00> : vector<1x128xf32>
          %dot_general3A_507 = tpu.matmul %while3A#0, %select_n3A_505, %dot_general3A_506 {dimension_numbers = #tpu.dot_dimension_numbers<[1], [0], [0], [1], [0, 0, 1, 1], [], []>, transpose_lhs_hint = false} : vector<1x128xf32>, vector<128x128xf32>, vector<1x128xf32> -> vector<1x128xf32>
          %concatenate3A = tpu.concatenate %dot_general3A_199, %dot_general3A_243, %dot_general3A_287, %dot_general3A_331, %dot_general3A_375, %dot_general3A_419, %dot_general3A_463, %dot_general3A_507 in 0 : vector<1x128xf32>, vector<1x128xf32>, vector<1x128xf32>, vector<1x128xf32>, vector<1x128xf32>, vector<1x128xf32>, vector<1x128xf32>, vector<1x128xf32> -> vector<8x128xf32>
          %mul3A_508 = arith.constant 8 : i32
          %mul3A_509 = arith.muli %while3A_133, %mul3A_508 : i32
          %add3A_510 = vector.broadcast %mul3A_509 : i32 to vector<8x1xi32>
          %add3A_511 = arith.addi %add3A_510, %iota3A_4 : vector<8x1xi32>
          %gt3A_512 = vector.broadcast %scan3A_9 : i32 to vector<8x1xi32>
          %gt3A_513 = arith.cmpi sgt, %add3A_511, %gt3A_512 : vector<8x1xi32>
          %ne3A_514 = arith.constant 0.000000e+00 : f32
          %ne3A_515 = vector.broadcast %ne3A_514 : f32 to vector<8x128xf32>
          %ne3A_516 = arith.cmpf one, %concatenate3A, %ne3A_515 : vector<8x128xf32>
          %and3A_517 = vector.broadcast %gt3A_513 : vector<8x1xi1> to vector<8x128xi1>
          %and3A_518 = arith.andi %and3A_517, %ne3A_516 : vector<8x128xi1>
          %jit3A_519 = arith.constant 0.000000e+00 : f32
          %jit3A_520 = arith.constant 1.000000e+00 : f32
          %broadcast_in_dim3A_521 = vector.broadcast %jit3A_519 : f32 to vector<8x128xf32>
          %broadcast_in_dim3A_522 = vector.broadcast %jit3A_520 : f32 to vector<8x128xf32>
          %select_n3A_523 = arith.select %and3A_518, %broadcast_in_dim3A_521, %broadcast_in_dim3A_522 : vector<8x128xi1>, vector<8x128xf32>
          %mul3A_524 = arith.constant 8 : i32
          %mul3A_525 = arith.muli %while3A_133, %mul3A_524 : i32
          %get3A_526 = arith.index_cast %mul3A_525 : i32 to index
          %get3A_527 = arith.constant 0 : index
          %get3A_528 = vector.load %arg8[%get3A_526, %get3A_527] : memref<80x128xf32, #tpu.memory_space<vmem>>, vector<8x128xf32>
          %mul3A_529 = arith.mulf %get3A_528, %select_n3A_523 : vector<8x128xf32>
          %mul3A_530 = arith.constant 8 : i32
          %mul3A_531 = arith.muli %while3A_133, %mul3A_530 : i32
          %swap3A_532 = arith.index_cast %mul3A_531 : i32 to index
          %swap3A_533 = arith.constant 0 : index
          %swap3A_534 = vector.load %arg8[%swap3A_532, %swap3A_533] : memref<80x128xf32, #tpu.memory_space<vmem>>, vector<8x128xf32>
          tpu.vector_store %arg8[%swap3A_532, %swap3A_533], %mul3A_529 {strides = array<i32>} : memref<80x128xf32, #tpu.memory_space<vmem>>, vector<8x128xf32>,
          %while3A_535 = arith.constant 0 : i32
          scf.yield %while3A_535 : i32
        }
        %while3A_131 = arith.constant 1 : i32
        %while3A_132 = scf.for %while3A_133 = %while3A_128 to %while3A_124 step %while3A_131 iter_args(%while3A_134 = %while3A_130) -> (i32)  : i32 {
          %mul3A_135 = arith.constant 8 : i32
          %mul3A_136 = arith.muli %while3A_133, %mul3A_135 : i32
          %get3A_137 = arith.index_cast %mul3A_136 : i32 to index
          %get3A_138 = arith.constant 0 : index
          %get3A_139 = vector.load %arg0[%get3A_137, %get3A_138] : memref<80x128xf32, #tpu.memory_space<vmem>>, vector<8x128xf32>
          %mul3A_140 = arith.constant 8 : i32
          %mul3A_141 = arith.muli %while3A_133, %mul3A_140 : i32
          %get3A_142 = arith.index_cast %mul3A_141 : i32 to index
          %get3A_143 = arith.constant 0 : index
          %get3A_144 = vector.load %arg1[%get3A_142, %get3A_143] : memref<80x128xf32, #tpu.memory_space<vmem>>, vector<8x128xf32>
          %mul3A_145 = arith.constant 8 : i32
          %mul3A_146 = arith.muli %while3A_133, %mul3A_145 : i32
          %get3A_147 = arith.index_cast %mul3A_146 : i32 to index
          %get3A_148 = arith.constant 0 : index
          %get3A_149 = vector.load %arg2[%get3A_147, %get3A_148] : memref<80x128xf32, #tpu.memory_space<vmem>>, vector<8x128xf32>
          %mul3A_150 = arith.constant 8 : i32
          %mul3A_151 = arith.muli %while3A_133, %mul3A_150 : i32
          %get3A_152 = arith.index_cast %mul3A_151 : i32 to index
          %get3A_153 = arith.constant 0 : index
          %get3A_154 = vector.load %arg3[%get3A_152, %get3A_153] : memref<80x128xf32, #tpu.memory_space<vmem>>, vector<8x128xf32>
          %sub3A_155 = arith.subf %get3A_149, %get3A_139 : vector<8x128xf32>
          %sub3A_156 = arith.subf %get3A_154, %get3A_144 : vector<8x128xf32>
          %mul3A_157 = arith.mulf %sub3A_155, %sub3A_156 : vector<8x128xf32>
          %slice3A = vector.extract_strided_slice %get3A_139 {offsets = [0, 0], sizes = [1, 128], strides = [1, 1]} : vector<8x128xf32> to vector<1x128xf32>
          %slice3A_158 = vector.extract_strided_slice %get3A_144 {offsets = [0, 0], sizes = [1, 128], strides = [1, 1]} : vector<8x128xf32> to vector<1x128xf32>
          %slice3A_159 = vector.extract_strided_slice %get3A_149 {offsets = [0, 0], sizes = [1, 128], strides = [1, 1]} : vector<8x128xf32> to vector<1x128xf32>
          %slice3A_160 = vector.extract_strided_slice %get3A_154 {offsets = [0, 0], sizes = [1, 128], strides = [1, 1]} : vector<8x128xf32> to vector<1x128xf32>
          %slice3A_161 = vector.extract_strided_slice %mul3A_157 {offsets = [0, 0], sizes = [1, 128], strides = [1, 1]} : vector<8x128xf32> to vector<1x128xf32>
          %max3A_162 = vector.broadcast %get3A_30 : vector<128x1xf32> to vector<128x128xf32>
          %max3A_163 = vector.broadcast %slice3A : vector<1x128xf32> to vector<128x128xf32>
          %max3A_164 = arith.maximumf %max3A_162, %max3A_163 : vector<128x128xf32>
          %max3A_165 = vector.broadcast %get3A_35 : vector<128x1xf32> to vector<128x128xf32>
          %max3A_166 = vector.broadcast %slice3A_158 : vector<1x128xf32> to vector<128x128xf32>
          %max3A_167 = arith.maximumf %max3A_165, %max3A_166 : vector<128x128xf32>
          %min3A_168 = vector.broadcast %get3A_40 : vector<128x1xf32> to vector<128x128xf32>
          %min3A_169 = vector.broadcast %slice3A_159 : vector<1x128xf32> to vector<128x128xf32>
          %min3A_170 = arith.minimumf %min3A_168, %min3A_169 : vector<128x128xf32>
          %min3A_171 = vector.broadcast %get3A_45 : vector<128x1xf32> to vector<128x128xf32>
          %min3A_172 = vector.broadcast %slice3A_160 : vector<1x128xf32> to vector<128x128xf32>
          %min3A_173 = arith.minimumf %min3A_171, %min3A_172 : vector<128x128xf32>
          %sub3A_174 = arith.subf %min3A_170, %max3A_164 : vector<128x128xf32>
          %max3A_175 = arith.constant 0.000000e+00 : f32
          %max3A_176 = vector.broadcast %max3A_175 : f32 to vector<128x128xf32>
          %max3A_177 = arith.maximumf %sub3A_174, %max3A_176 : vector<128x128xf32>
          %sub3A_178 = arith.subf %min3A_173, %max3A_167 : vector<128x128xf32>
          %max3A_179 = arith.constant 0.000000e+00 : f32
          %max3A_180 = vector.broadcast %max3A_179 : f32 to vector<128x128xf32>
          %max3A_181 = arith.maximumf %sub3A_178, %max3A_180 : vector<128x128xf32>
          %mul3A_182 = arith.mulf %max3A_177, %max3A_181 : vector<128x128xf32>
          %add3A_183 = vector.broadcast %mul3A_47 : vector<128x1xf32> to vector<128x128xf32>
          %add3A_184 = vector.broadcast %slice3A_161 : vector<1x128xf32> to vector<128x128xf32>
          %add3A_185 = arith.addf %add3A_183, %add3A_184 : vector<128x128xf32>
          %sub3A_186 = arith.subf %add3A_185, %mul3A_182 : vector<128x128xf32>
          %add3A_187 = arith.constant 9.99999971E-10 : f32
          %add3A_188 = vector.broadcast %add3A_187 : f32 to vector<128x128xf32>
          %add3A_189 = arith.addf %sub3A_186, %add3A_188 : vector<128x128xf32>
          %div3A_190 = arith.divf %mul3A_182, %add3A_189 : vector<128x128xf32>
          %gt3A_191 = arith.constant 0.699999988 : f32
          %gt3A_192 = vector.broadcast %gt3A_191 : f32 to vector<128x128xf32>
          %gt3A_193 = arith.cmpf ogt, %div3A_190, %gt3A_192 : vector<128x128xf32>
          %jit3A_194 = arith.constant 1.000000e+00 : f32
          %jit3A_195 = arith.constant 0.000000e+00 : f32
          %broadcast_in_dim3A_196 = vector.broadcast %jit3A_194 : f32 to vector<128x128xf32>
          %broadcast_in_dim3A_197 = vector.broadcast %jit3A_195 : f32 to vector<128x128xf32>
          %select_n3A_198 = arith.select %gt3A_193, %broadcast_in_dim3A_196, %broadcast_in_dim3A_197 : vector<128x128xi1>, vector<128x128xf32>
          %dot_general3A = arith.constant dense<0.000000e+00> : vector<1x128xf32>
          %dot_general3A_199 = tpu.matmul %while3A#0, %select_n3A_198, %dot_general3A {dimension_numbers = #tpu.dot_dimension_numbers<[1], [0], [0], [1], [0, 0, 1, 1], [], []>, transpose_lhs_hint = false} : vector<1x128xf32>, vector<128x128xf32>, vector<1x128xf32> -> vector<1x128xf32>
          %slice3A_200 = vector.extract_strided_slice %get3A_139 {offsets = [1, 0], sizes = [1, 128], strides = [1, 1]} : vector<8x128xf32> to vector<1x128xf32>
          %slice3A_201 = vector.extract_strided_slice %get3A_144 {offsets = [1, 0], sizes = [1, 128], strides = [1, 1]} : vector<8x128xf32> to vector<1x128xf32>
          %slice3A_202 = vector.extract_strided_slice %get3A_149 {offsets = [1, 0], sizes = [1, 128], strides = [1, 1]} : vector<8x128xf32> to vector<1x128xf32>
          %slice3A_203 = vector.extract_strided_slice %get3A_154 {offsets = [1, 0], sizes = [1, 128], strides = [1, 1]} : vector<8x128xf32> to vector<1x128xf32>
          %slice3A_204 = vector.extract_strided_slice %mul3A_157 {offsets = [1, 0], sizes = [1, 128], strides = [1, 1]} : vector<8x128xf32> to vector<1x128xf32>
          %max3A_205 = vector.broadcast %get3A_30 : vector<128x1xf32> to vector<128x128xf32>
          %max3A_206 = vector.broadcast %slice3A_200 : vector<1x128xf32> to vector<128x128xf32>
          %max3A_207 = arith.maximumf %max3A_205, %max3A_206 : vector<128x128xf32>
          %max3A_208 = vector.broadcast %get3A_35 : vector<128x1xf32> to vector<128x128xf32>
          %max3A_209 = vector.broadcast %slice3A_201 : vector<1x128xf32> to vector<128x128xf32>
          %max3A_210 = arith.maximumf %max3A_208, %max3A_209 : vector<128x128xf32>
          %min3A_211 = vector.broadcast %get3A_40 : vector<128x1xf32> to vector<128x128xf32>
          %min3A_212 = vector.broadcast %slice3A_202 : vector<1x128xf32> to vector<128x128xf32>
          %min3A_213 = arith.minimumf %min3A_211, %min3A_212 : vector<128x128xf32>
          %min3A_214 = vector.broadcast %get3A_45 : vector<128x1xf32> to vector<128x128xf32>
          %min3A_215 = vector.broadcast %slice3A_203 : vector<1x128xf32> to vector<128x128xf32>
          %min3A_216 = arith.minimumf %min3A_214, %min3A_215 : vector<128x128xf32>
          %sub3A_217 = arith.subf %min3A_213, %max3A_207 : vector<128x128xf32>
          %max3A_218 = arith.constant 0.000000e+00 : f32
          %max3A_219 = vector.broadcast %max3A_218 : f32 to vector<128x128xf32>
          %max3A_220 = arith.maximumf %sub3A_217, %max3A_219 : vector<128x128xf32>
          %sub3A_221 = arith.subf %min3A_216, %max3A_210 : vector<128x128xf32>
          %max3A_222 = arith.constant 0.000000e+00 : f32
          %max3A_223 = vector.broadcast %max3A_222 : f32 to vector<128x128xf32>
          %max3A_224 = arith.maximumf %sub3A_221, %max3A_223 : vector<128x128xf32>
          %mul3A_225 = arith.mulf %max3A_220, %max3A_224 : vector<128x128xf32>
          %add3A_226 = vector.broadcast %mul3A_47 : vector<128x1xf32> to vector<128x128xf32>
          %add3A_227 = vector.broadcast %slice3A_204 : vector<1x128xf32> to vector<128x128xf32>
          %add3A_228 = arith.addf %add3A_226, %add3A_227 : vector<128x128xf32>
          %sub3A_229 = arith.subf %add3A_228, %mul3A_225 : vector<128x128xf32>
          %add3A_230 = arith.constant 9.99999971E-10 : f32
          %add3A_231 = vector.broadcast %add3A_230 : f32 to vector<128x128xf32>
          %add3A_232 = arith.addf %sub3A_229, %add3A_231 : vector<128x128xf32>
          %div3A_233 = arith.divf %mul3A_225, %add3A_232 : vector<128x128xf32>
          %gt3A_234 = arith.constant 0.699999988 : f32
          %gt3A_235 = vector.broadcast %gt3A_234 : f32 to vector<128x128xf32>
          %gt3A_236 = arith.cmpf ogt, %div3A_233, %gt3A_235 : vector<128x128xf32>
          %jit3A_237 = arith.constant 1.000000e+00 : f32
          %jit3A_238 = arith.constant 0.000000e+00 : f32
          %broadcast_in_dim3A_239 = vector.broadcast %jit3A_237 : f32 to vector<128x128xf32>
          %broadcast_in_dim3A_240 = vector.broadcast %jit3A_238 : f32 to vector<128x128xf32>
          %select_n3A_241 = arith.select %gt3A_236, %broadcast_in_dim3A_239, %broadcast_in_dim3A_240 : vector<128x128xi1>, vector<128x128xf32>
          %dot_general3A_242 = arith.constant dense<0.000000e+00> : vector<1x128xf32>
          %dot_general3A_243 = tpu.matmul %while3A#0, %select_n3A_241, %dot_general3A_242 {dimension_numbers = #tpu.dot_dimension_numbers<[1], [0], [0], [1], [0, 0, 1, 1], [], []>, transpose_lhs_hint = false} : vector<1x128xf32>, vector<128x128xf32>, vector<1x128xf32> -> vector<1x128xf32>
          %slice3A_244 = vector.extract_strided_slice %get3A_139 {offsets = [2, 0], sizes = [1, 128], strides = [1, 1]} : vector<8x128xf32> to vector<1x128xf32>
          %slice3A_245 = vector.extract_strided_slice %get3A_144 {offsets = [2, 0], sizes = [1, 128], strides = [1, 1]} : vector<8x128xf32> to vector<1x128xf32>
          %slice3A_246 = vector.extract_strided_slice %get3A_149 {offsets = [2, 0], sizes = [1, 128], strides = [1, 1]} : vector<8x128xf32> to vector<1x128xf32>
          %slice3A_247 = vector.extract_strided_slice %get3A_154 {offsets = [2, 0], sizes = [1, 128], strides = [1, 1]} : vector<8x128xf32> to vector<1x128xf32>
          %slice3A_248 = vector.extract_strided_slice %mul3A_157 {offsets = [2, 0], sizes = [1, 128], strides = [1, 1]} : vector<8x128xf32> to vector<1x128xf32>
          %max3A_249 = vector.broadcast %get3A_30 : vector<128x1xf32> to vector<128x128xf32>
          %max3A_250 = vector.broadcast %slice3A_244 : vector<1x128xf32> to vector<128x128xf32>
          %max3A_251 = arith.maximumf %max3A_249, %max3A_250 : vector<128x128xf32>
          %max3A_252 = vector.broadcast %get3A_35 : vector<128x1xf32> to vector<128x128xf32>
          %max3A_253 = vector.broadcast %slice3A_245 : vector<1x128xf32> to vector<128x128xf32>
          %max3A_254 = arith.maximumf %max3A_252, %max3A_253 : vector<128x128xf32>
          %min3A_255 = vector.broadcast %get3A_40 : vector<128x1xf32> to vector<128x128xf32>
          %min3A_256 = vector.broadcast %slice3A_246 : vector<1x128xf32> to vector<128x128xf32>
          %min3A_257 = arith.minimumf %min3A_255, %min3A_256 : vector<128x128xf32>
          %min3A_258 = vector.broadcast %get3A_45 : vector<128x1xf32> to vector<128x128xf32>
          %min3A_259 = vector.broadcast %slice3A_247 : vector<1x128xf32> to vector<128x128xf32>
          %min3A_260 = arith.minimumf %min3A_258, %min3A_259 : vector<128x128xf32>
          %sub3A_261 = arith.subf %min3A_257, %max3A_251 : vector<128x128xf32>
          %max3A_262 = arith.constant 0.000000e+00 : f32
          %max3A_263 = vector.broadcast %max3A_262 : f32 to vector<128x128xf32>
          %max3A_264 = arith.maximumf %sub3A_261, %max3A_263 : vector<128x128xf32>
          %sub3A_265 = arith.subf %min3A_260, %max3A_254 : vector<128x128xf32>
          %max3A_266 = arith.constant 0.000000e+00 : f32
          %max3A_267 = vector.broadcast %max3A_266 : f32 to vector<128x128xf32>
          %max3A_268 = arith.maximumf %sub3A_265, %max3A_267 : vector<128x128xf32>
          %mul3A_269 = arith.mulf %max3A_264, %max3A_268 : vector<128x128xf32>
          %add3A_270 = vector.broadcast %mul3A_47 : vector<128x1xf32> to vector<128x128xf32>
          %add3A_271 = vector.broadcast %slice3A_248 : vector<1x128xf32> to vector<128x128xf32>
          %add3A_272 = arith.addf %add3A_270, %add3A_271 : vector<128x128xf32>
          %sub3A_273 = arith.subf %add3A_272, %mul3A_269 : vector<128x128xf32>
          %add3A_274 = arith.constant 9.99999971E-10 : f32
          %add3A_275 = vector.broadcast %add3A_274 : f32 to vector<128x128xf32>
          %add3A_276 = arith.addf %sub3A_273, %add3A_275 : vector<128x128xf32>
          %div3A_277 = arith.divf %mul3A_269, %add3A_276 : vector<128x128xf32>
          %gt3A_278 = arith.constant 0.699999988 : f32
          %gt3A_279 = vector.broadcast %gt3A_278 : f32 to vector<128x128xf32>
          %gt3A_280 = arith.cmpf ogt, %div3A_277, %gt3A_279 : vector<128x128xf32>
          %jit3A_281 = arith.constant 1.000000e+00 : f32
          %jit3A_282 = arith.constant 0.000000e+00 : f32
          %broadcast_in_dim3A_283 = vector.broadcast %jit3A_281 : f32 to vector<128x128xf32>
          %broadcast_in_dim3A_284 = vector.broadcast %jit3A_282 : f32 to vector<128x128xf32>
          %select_n3A_285 = arith.select %gt3A_280, %broadcast_in_dim3A_283, %broadcast_in_dim3A_284 : vector<128x128xi1>, vector<128x128xf32>
          %dot_general3A_286 = arith.constant dense<0.000000e+00> : vector<1x128xf32>
          %dot_general3A_287 = tpu.matmul %while3A#0, %select_n3A_285, %dot_general3A_286 {dimension_numbers = #tpu.dot_dimension_numbers<[1], [0], [0], [1], [0, 0, 1, 1], [], []>, transpose_lhs_hint = false} : vector<1x128xf32>, vector<128x128xf32>, vector<1x128xf32> -> vector<1x128xf32>
          %slice3A_288 = vector.extract_strided_slice %get3A_139 {offsets = [3, 0], sizes = [1, 128], strides = [1, 1]} : vector<8x128xf32> to vector<1x128xf32>
          %slice3A_289 = vector.extract_strided_slice %get3A_144 {offsets = [3, 0], sizes = [1, 128], strides = [1, 1]} : vector<8x128xf32> to vector<1x128xf32>
          %slice3A_290 = vector.extract_strided_slice %get3A_149 {offsets = [3, 0], sizes = [1, 128], strides = [1, 1]} : vector<8x128xf32> to vector<1x128xf32>
          %slice3A_291 = vector.extract_strided_slice %get3A_154 {offsets = [3, 0], sizes = [1, 128], strides = [1, 1]} : vector<8x128xf32> to vector<1x128xf32>
          %slice3A_292 = vector.extract_strided_slice %mul3A_157 {offsets = [3, 0], sizes = [1, 128], strides = [1, 1]} : vector<8x128xf32> to vector<1x128xf32>
          %max3A_293 = vector.broadcast %get3A_30 : vector<128x1xf32> to vector<128x128xf32>
          %max3A_294 = vector.broadcast %slice3A_288 : vector<1x128xf32> to vector<128x128xf32>
          %max3A_295 = arith.maximumf %max3A_293, %max3A_294 : vector<128x128xf32>
          %max3A_296 = vector.broadcast %get3A_35 : vector<128x1xf32> to vector<128x128xf32>
          %max3A_297 = vector.broadcast %slice3A_289 : vector<1x128xf32> to vector<128x128xf32>
          %max3A_298 = arith.maximumf %max3A_296, %max3A_297 : vector<128x128xf32>
          %min3A_299 = vector.broadcast %get3A_40 : vector<128x1xf32> to vector<128x128xf32>
          %min3A_300 = vector.broadcast %slice3A_290 : vector<1x128xf32> to vector<128x128xf32>
          %min3A_301 = arith.minimumf %min3A_299, %min3A_300 : vector<128x128xf32>
          %min3A_302 = vector.broadcast %get3A_45 : vector<128x1xf32> to vector<128x128xf32>
          %min3A_303 = vector.broadcast %slice3A_291 : vector<1x128xf32> to vector<128x128xf32>
          %min3A_304 = arith.minimumf %min3A_302, %min3A_303 : vector<128x128xf32>
          %sub3A_305 = arith.subf %min3A_301, %max3A_295 : vector<128x128xf32>
          %max3A_306 = arith.constant 0.000000e+00 : f32
          %max3A_307 = vector.broadcast %max3A_306 : f32 to vector<128x128xf32>
          %max3A_308 = arith.maximumf %sub3A_305, %max3A_307 : vector<128x128xf32>
          %sub3A_309 = arith.subf %min3A_304, %max3A_298 : vector<128x128xf32>
          %max3A_310 = arith.constant 0.000000e+00 : f32
          %max3A_311 = vector.broadcast %max3A_310 : f32 to vector<128x128xf32>
          %max3A_312 = arith.maximumf %sub3A_309, %max3A_311 : vector<128x128xf32>
          %mul3A_313 = arith.mulf %max3A_308, %max3A_312 : vector<128x128xf32>
          %add3A_314 = vector.broadcast %mul3A_47 : vector<128x1xf32> to vector<128x128xf32>
          %add3A_315 = vector.broadcast %slice3A_292 : vector<1x128xf32> to vector<128x128xf32>
          %add3A_316 = arith.addf %add3A_314, %add3A_315 : vector<128x128xf32>
          %sub3A_317 = arith.subf %add3A_316, %mul3A_313 : vector<128x128xf32>
          %add3A_318 = arith.constant 9.99999971E-10 : f32
          %add3A_319 = vector.broadcast %add3A_318 : f32 to vector<128x128xf32>
          %add3A_320 = arith.addf %sub3A_317, %add3A_319 : vector<128x128xf32>
          %div3A_321 = arith.divf %mul3A_313, %add3A_320 : vector<128x128xf32>
          %gt3A_322 = arith.constant 0.699999988 : f32
          %gt3A_323 = vector.broadcast %gt3A_322 : f32 to vector<128x128xf32>
          %gt3A_324 = arith.cmpf ogt, %div3A_321, %gt3A_323 : vector<128x128xf32>
          %jit3A_325 = arith.constant 1.000000e+00 : f32
          %jit3A_326 = arith.constant 0.000000e+00 : f32
          %broadcast_in_dim3A_327 = vector.broadcast %jit3A_325 : f32 to vector<128x128xf32>
          %broadcast_in_dim3A_328 = vector.broadcast %jit3A_326 : f32 to vector<128x128xf32>
          %select_n3A_329 = arith.select %gt3A_324, %broadcast_in_dim3A_327, %broadcast_in_dim3A_328 : vector<128x128xi1>, vector<128x128xf32>
          %dot_general3A_330 = arith.constant dense<0.000000e+00> : vector<1x128xf32>
          %dot_general3A_331 = tpu.matmul %while3A#0, %select_n3A_329, %dot_general3A_330 {dimension_numbers = #tpu.dot_dimension_numbers<[1], [0], [0], [1], [0, 0, 1, 1], [], []>, transpose_lhs_hint = false} : vector<1x128xf32>, vector<128x128xf32>, vector<1x128xf32> -> vector<1x128xf32>
          %slice3A_332 = vector.extract_strided_slice %get3A_139 {offsets = [4, 0], sizes = [1, 128], strides = [1, 1]} : vector<8x128xf32> to vector<1x128xf32>
          %slice3A_333 = vector.extract_strided_slice %get3A_144 {offsets = [4, 0], sizes = [1, 128], strides = [1, 1]} : vector<8x128xf32> to vector<1x128xf32>
          %slice3A_334 = vector.extract_strided_slice %get3A_149 {offsets = [4, 0], sizes = [1, 128], strides = [1, 1]} : vector<8x128xf32> to vector<1x128xf32>
          %slice3A_335 = vector.extract_strided_slice %get3A_154 {offsets = [4, 0], sizes = [1, 128], strides = [1, 1]} : vector<8x128xf32> to vector<1x128xf32>
          %slice3A_336 = vector.extract_strided_slice %mul3A_157 {offsets = [4, 0], sizes = [1, 128], strides = [1, 1]} : vector<8x128xf32> to vector<1x128xf32>
          %max3A_337 = vector.broadcast %get3A_30 : vector<128x1xf32> to vector<128x128xf32>
          %max3A_338 = vector.broadcast %slice3A_332 : vector<1x128xf32> to vector<128x128xf32>
          %max3A_339 = arith.maximumf %max3A_337, %max3A_338 : vector<128x128xf32>
          %max3A_340 = vector.broadcast %get3A_35 : vector<128x1xf32> to vector<128x128xf32>
          %max3A_341 = vector.broadcast %slice3A_333 : vector<1x128xf32> to vector<128x128xf32>
          %max3A_342 = arith.maximumf %max3A_340, %max3A_341 : vector<128x128xf32>
          %min3A_343 = vector.broadcast %get3A_40 : vector<128x1xf32> to vector<128x128xf32>
          %min3A_344 = vector.broadcast %slice3A_334 : vector<1x128xf32> to vector<128x128xf32>
          %min3A_345 = arith.minimumf %min3A_343, %min3A_344 : vector<128x128xf32>
          %min3A_346 = vector.broadcast %get3A_45 : vector<128x1xf32> to vector<128x128xf32>
          %min3A_347 = vector.broadcast %slice3A_335 : vector<1x128xf32> to vector<128x128xf32>
          %min3A_348 = arith.minimumf %min3A_346, %min3A_347 : vector<128x128xf32>
          %sub3A_349 = arith.subf %min3A_345, %max3A_339 : vector<128x128xf32>
          %max3A_350 = arith.constant 0.000000e+00 : f32
          %max3A_351 = vector.broadcast %max3A_350 : f32 to vector<128x128xf32>
          %max3A_352 = arith.maximumf %sub3A_349, %max3A_351 : vector<128x128xf32>
          %sub3A_353 = arith.subf %min3A_348, %max3A_342 : vector<128x128xf32>
          %max3A_354 = arith.constant 0.000000e+00 : f32
          %max3A_355 = vector.broadcast %max3A_354 : f32 to vector<128x128xf32>
          %max3A_356 = arith.maximumf %sub3A_353, %max3A_355 : vector<128x128xf32>
          %mul3A_357 = arith.mulf %max3A_352, %max3A_356 : vector<128x128xf32>
          %add3A_358 = vector.broadcast %mul3A_47 : vector<128x1xf32> to vector<128x128xf32>
          %add3A_359 = vector.broadcast %slice3A_336 : vector<1x128xf32> to vector<128x128xf32>
          %add3A_360 = arith.addf %add3A_358, %add3A_359 : vector<128x128xf32>
          %sub3A_361 = arith.subf %add3A_360, %mul3A_357 : vector<128x128xf32>
          %add3A_362 = arith.constant 9.99999971E-10 : f32
          %add3A_363 = vector.broadcast %add3A_362 : f32 to vector<128x128xf32>
          %add3A_364 = arith.addf %sub3A_361, %add3A_363 : vector<128x128xf32>
          %div3A_365 = arith.divf %mul3A_357, %add3A_364 : vector<128x128xf32>
          %gt3A_366 = arith.constant 0.699999988 : f32
          %gt3A_367 = vector.broadcast %gt3A_366 : f32 to vector<128x128xf32>
          %gt3A_368 = arith.cmpf ogt, %div3A_365, %gt3A_367 : vector<128x128xf32>
          %jit3A_369 = arith.constant 1.000000e+00 : f32
          %jit3A_370 = arith.constant 0.000000e+00 : f32
          %broadcast_in_dim3A_371 = vector.broadcast %jit3A_369 : f32 to vector<128x128xf32>
          %broadcast_in_dim3A_372 = vector.broadcast %jit3A_370 : f32 to vector<128x128xf32>
          %select_n3A_373 = arith.select %gt3A_368, %broadcast_in_dim3A_371, %broadcast_in_dim3A_372 : vector<128x128xi1>, vector<128x128xf32>
          %dot_general3A_374 = arith.constant dense<0.000000e+00> : vector<1x128xf32>
          %dot_general3A_375 = tpu.matmul %while3A#0, %select_n3A_373, %dot_general3A_374 {dimension_numbers = #tpu.dot_dimension_numbers<[1], [0], [0], [1], [0, 0, 1, 1], [], []>, transpose_lhs_hint = false} : vector<1x128xf32>, vector<128x128xf32>, vector<1x128xf32> -> vector<1x128xf32>
          %slice3A_376 = vector.extract_strided_slice %get3A_139 {offsets = [5, 0], sizes = [1, 128], strides = [1, 1]} : vector<8x128xf32> to vector<1x128xf32>
          %slice3A_377 = vector.extract_strided_slice %get3A_144 {offsets = [5, 0], sizes = [1, 128], strides = [1, 1]} : vector<8x128xf32> to vector<1x128xf32>
          %slice3A_378 = vector.extract_strided_slice %get3A_149 {offsets = [5, 0], sizes = [1, 128], strides = [1, 1]} : vector<8x128xf32> to vector<1x128xf32>
          %slice3A_379 = vector.extract_strided_slice %get3A_154 {offsets = [5, 0], sizes = [1, 128], strides = [1, 1]} : vector<8x128xf32> to vector<1x128xf32>
          %slice3A_380 = vector.extract_strided_slice %mul3A_157 {offsets = [5, 0], sizes = [1, 128], strides = [1, 1]} : vector<8x128xf32> to vector<1x128xf32>
          %max3A_381 = vector.broadcast %get3A_30 : vector<128x1xf32> to vector<128x128xf32>
          %max3A_382 = vector.broadcast %slice3A_376 : vector<1x128xf32> to vector<128x128xf32>
          %max3A_383 = arith.maximumf %max3A_381, %max3A_382 : vector<128x128xf32>
          %max3A_384 = vector.broadcast %get3A_35 : vector<128x1xf32> to vector<128x128xf32>
          %max3A_385 = vector.broadcast %slice3A_377 : vector<1x128xf32> to vector<128x128xf32>
          %max3A_386 = arith.maximumf %max3A_384, %max3A_385 : vector<128x128xf32>
          %min3A_387 = vector.broadcast %get3A_40 : vector<128x1xf32> to vector<128x128xf32>
          %min3A_388 = vector.broadcast %slice3A_378 : vector<1x128xf32> to vector<128x128xf32>
          %min3A_389 = arith.minimumf %min3A_387, %min3A_388 : vector<128x128xf32>
          %min3A_390 = vector.broadcast %get3A_45 : vector<128x1xf32> to vector<128x128xf32>
          %min3A_391 = vector.broadcast %slice3A_379 : vector<1x128xf32> to vector<128x128xf32>
          %min3A_392 = arith.minimumf %min3A_390, %min3A_391 : vector<128x128xf32>
          %sub3A_393 = arith.subf %min3A_389, %max3A_383 : vector<128x128xf32>
          %max3A_394 = arith.constant 0.000000e+00 : f32
          %max3A_395 = vector.broadcast %max3A_394 : f32 to vector<128x128xf32>
          %max3A_396 = arith.maximumf %sub3A_393, %max3A_395 : vector<128x128xf32>
          %sub3A_397 = arith.subf %min3A_392, %max3A_386 : vector<128x128xf32>
          %max3A_398 = arith.constant 0.000000e+00 : f32
          %max3A_399 = vector.broadcast %max3A_398 : f32 to vector<128x128xf32>
          %max3A_400 = arith.maximumf %sub3A_397, %max3A_399 : vector<128x128xf32>
          %mul3A_401 = arith.mulf %max3A_396, %max3A_400 : vector<128x128xf32>
          %add3A_402 = vector.broadcast %mul3A_47 : vector<128x1xf32> to vector<128x128xf32>
          %add3A_403 = vector.broadcast %slice3A_380 : vector<1x128xf32> to vector<128x128xf32>
          %add3A_404 = arith.addf %add3A_402, %add3A_403 : vector<128x128xf32>
          %sub3A_405 = arith.subf %add3A_404, %mul3A_401 : vector<128x128xf32>
          %add3A_406 = arith.constant 9.99999971E-10 : f32
          %add3A_407 = vector.broadcast %add3A_406 : f32 to vector<128x128xf32>
          %add3A_408 = arith.addf %sub3A_405, %add3A_407 : vector<128x128xf32>
          %div3A_409 = arith.divf %mul3A_401, %add3A_408 : vector<128x128xf32>
          %gt3A_410 = arith.constant 0.699999988 : f32
          %gt3A_411 = vector.broadcast %gt3A_410 : f32 to vector<128x128xf32>
          %gt3A_412 = arith.cmpf ogt, %div3A_409, %gt3A_411 : vector<128x128xf32>
          %jit3A_413 = arith.constant 1.000000e+00 : f32
          %jit3A_414 = arith.constant 0.000000e+00 : f32
          %broadcast_in_dim3A_415 = vector.broadcast %jit3A_413 : f32 to vector<128x128xf32>
          %broadcast_in_dim3A_416 = vector.broadcast %jit3A_414 : f32 to vector<128x128xf32>
          %select_n3A_417 = arith.select %gt3A_412, %broadcast_in_dim3A_415, %broadcast_in_dim3A_416 : vector<128x128xi1>, vector<128x128xf32>
          %dot_general3A_418 = arith.constant dense<0.000000e+00> : vector<1x128xf32>
          %dot_general3A_419 = tpu.matmul %while3A#0, %select_n3A_417, %dot_general3A_418 {dimension_numbers = #tpu.dot_dimension_numbers<[1], [0], [0], [1], [0, 0, 1, 1], [], []>, transpose_lhs_hint = false} : vector<1x128xf32>, vector<128x128xf32>, vector<1x128xf32> -> vector<1x128xf32>
          %slice3A_420 = vector.extract_strided_slice %get3A_139 {offsets = [6, 0], sizes = [1, 128], strides = [1, 1]} : vector<8x128xf32> to vector<1x128xf32>
          %slice3A_421 = vector.extract_strided_slice %get3A_144 {offsets = [6, 0], sizes = [1, 128], strides = [1, 1]} : vector<8x128xf32> to vector<1x128xf32>
          %slice3A_422 = vector.extract_strided_slice %get3A_149 {offsets = [6, 0], sizes = [1, 128], strides = [1, 1]} : vector<8x128xf32> to vector<1x128xf32>
          %slice3A_423 = vector.extract_strided_slice %get3A_154 {offsets = [6, 0], sizes = [1, 128], strides = [1, 1]} : vector<8x128xf32> to vector<1x128xf32>
          %slice3A_424 = vector.extract_strided_slice %mul3A_157 {offsets = [6, 0], sizes = [1, 128], strides = [1, 1]} : vector<8x128xf32> to vector<1x128xf32>
          %max3A_425 = vector.broadcast %get3A_30 : vector<128x1xf32> to vector<128x128xf32>
          %max3A_426 = vector.broadcast %slice3A_420 : vector<1x128xf32> to vector<128x128xf32>
          %max3A_427 = arith.maximumf %max3A_425, %max3A_426 : vector<128x128xf32>
          %max3A_428 = vector.broadcast %get3A_35 : vector<128x1xf32> to vector<128x128xf32>
          %max3A_429 = vector.broadcast %slice3A_421 : vector<1x128xf32> to vector<128x128xf32>
          %max3A_430 = arith.maximumf %max3A_428, %max3A_429 : vector<128x128xf32>
          %min3A_431 = vector.broadcast %get3A_40 : vector<128x1xf32> to vector<128x128xf32>
          %min3A_432 = vector.broadcast %slice3A_422 : vector<1x128xf32> to vector<128x128xf32>
          %min3A_433 = arith.minimumf %min3A_431, %min3A_432 : vector<128x128xf32>
          %min3A_434 = vector.broadcast %get3A_45 : vector<128x1xf32> to vector<128x128xf32>
          %min3A_435 = vector.broadcast %slice3A_423 : vector<1x128xf32> to vector<128x128xf32>
          %min3A_436 = arith.minimumf %min3A_434, %min3A_435 : vector<128x128xf32>
          %sub3A_437 = arith.subf %min3A_433, %max3A_427 : vector<128x128xf32>
          %max3A_438 = arith.constant 0.000000e+00 : f32
          %max3A_439 = vector.broadcast %max3A_438 : f32 to vector<128x128xf32>
          %max3A_440 = arith.maximumf %sub3A_437, %max3A_439 : vector<128x128xf32>
          %sub3A_441 = arith.subf %min3A_436, %max3A_430 : vector<128x128xf32>
          %max3A_442 = arith.constant 0.000000e+00 : f32
          %max3A_443 = vector.broadcast %max3A_442 : f32 to vector<128x128xf32>
          %max3A_444 = arith.maximumf %sub3A_441, %max3A_443 : vector<128x128xf32>
          %mul3A_445 = arith.mulf %max3A_440, %max3A_444 : vector<128x128xf32>
          %add3A_446 = vector.broadcast %mul3A_47 : vector<128x1xf32> to vector<128x128xf32>
          %add3A_447 = vector.broadcast %slice3A_424 : vector<1x128xf32> to vector<128x128xf32>
          %add3A_448 = arith.addf %add3A_446, %add3A_447 : vector<128x128xf32>
          %sub3A_449 = arith.subf %add3A_448, %mul3A_445 : vector<128x128xf32>
          %add3A_450 = arith.constant 9.99999971E-10 : f32
          %add3A_451 = vector.broadcast %add3A_450 : f32 to vector<128x128xf32>
          %add3A_452 = arith.addf %sub3A_449, %add3A_451 : vector<128x128xf32>
          %div3A_453 = arith.divf %mul3A_445, %add3A_452 : vector<128x128xf32>
          %gt3A_454 = arith.constant 0.699999988 : f32
          %gt3A_455 = vector.broadcast %gt3A_454 : f32 to vector<128x128xf32>
          %gt3A_456 = arith.cmpf ogt, %div3A_453, %gt3A_455 : vector<128x128xf32>
          %jit3A_457 = arith.constant 1.000000e+00 : f32
          %jit3A_458 = arith.constant 0.000000e+00 : f32
          %broadcast_in_dim3A_459 = vector.broadcast %jit3A_457 : f32 to vector<128x128xf32>
          %broadcast_in_dim3A_460 = vector.broadcast %jit3A_458 : f32 to vector<128x128xf32>
          %select_n3A_461 = arith.select %gt3A_456, %broadcast_in_dim3A_459, %broadcast_in_dim3A_460 : vector<128x128xi1>, vector<128x128xf32>
          %dot_general3A_462 = arith.constant dense<0.000000e+00> : vector<1x128xf32>
          %dot_general3A_463 = tpu.matmul %while3A#0, %select_n3A_461, %dot_general3A_462 {dimension_numbers = #tpu.dot_dimension_numbers<[1], [0], [0], [1], [0, 0, 1, 1], [], []>, transpose_lhs_hint = false} : vector<1x128xf32>, vector<128x128xf32>, vector<1x128xf32> -> vector<1x128xf32>
          %slice3A_464 = vector.extract_strided_slice %get3A_139 {offsets = [7, 0], sizes = [1, 128], strides = [1, 1]} : vector<8x128xf32> to vector<1x128xf32>
          %slice3A_465 = vector.extract_strided_slice %get3A_144 {offsets = [7, 0], sizes = [1, 128], strides = [1, 1]} : vector<8x128xf32> to vector<1x128xf32>
          %slice3A_466 = vector.extract_strided_slice %get3A_149 {offsets = [7, 0], sizes = [1, 128], strides = [1, 1]} : vector<8x128xf32> to vector<1x128xf32>
          %slice3A_467 = vector.extract_strided_slice %get3A_154 {offsets = [7, 0], sizes = [1, 128], strides = [1, 1]} : vector<8x128xf32> to vector<1x128xf32>
          %slice3A_468 = vector.extract_strided_slice %mul3A_157 {offsets = [7, 0], sizes = [1, 128], strides = [1, 1]} : vector<8x128xf32> to vector<1x128xf32>
          %max3A_469 = vector.broadcast %get3A_30 : vector<128x1xf32> to vector<128x128xf32>
          %max3A_470 = vector.broadcast %slice3A_464 : vector<1x128xf32> to vector<128x128xf32>
          %max3A_471 = arith.maximumf %max3A_469, %max3A_470 : vector<128x128xf32>
          %max3A_472 = vector.broadcast %get3A_35 : vector<128x1xf32> to vector<128x128xf32>
          %max3A_473 = vector.broadcast %slice3A_465 : vector<1x128xf32> to vector<128x128xf32>
          %max3A_474 = arith.maximumf %max3A_472, %max3A_473 : vector<128x128xf32>
          %min3A_475 = vector.broadcast %get3A_40 : vector<128x1xf32> to vector<128x128xf32>
          %min3A_476 = vector.broadcast %slice3A_466 : vector<1x128xf32> to vector<128x128xf32>
          %min3A_477 = arith.minimumf %min3A_475, %min3A_476 : vector<128x128xf32>
          %min3A_478 = vector.broadcast %get3A_45 : vector<128x1xf32> to vector<128x128xf32>
          %min3A_479 = vector.broadcast %slice3A_467 : vector<1x128xf32> to vector<128x128xf32>
          %min3A_480 = arith.minimumf %min3A_478, %min3A_479 : vector<128x128xf32>
          %sub3A_481 = arith.subf %min3A_477, %max3A_471 : vector<128x128xf32>
          %max3A_482 = arith.constant 0.000000e+00 : f32
          %max3A_483 = vector.broadcast %max3A_482 : f32 to vector<128x128xf32>
          %max3A_484 = arith.maximumf %sub3A_481, %max3A_483 : vector<128x128xf32>
          %sub3A_485 = arith.subf %min3A_480, %max3A_474 : vector<128x128xf32>
          %max3A_486 = arith.constant 0.000000e+00 : f32
          %max3A_487 = vector.broadcast %max3A_486 : f32 to vector<128x128xf32>
          %max3A_488 = arith.maximumf %sub3A_485, %max3A_487 : vector<128x128xf32>
          %mul3A_489 = arith.mulf %max3A_484, %max3A_488 : vector<128x128xf32>
          %add3A_490 = vector.broadcast %mul3A_47 : vector<128x1xf32> to vector<128x128xf32>
          %add3A_491 = vector.broadcast %slice3A_468 : vector<1x128xf32> to vector<128x128xf32>
          %add3A_492 = arith.addf %add3A_490, %add3A_491 : vector<128x128xf32>
          %sub3A_493 = arith.subf %add3A_492, %mul3A_489 : vector<128x128xf32>
          %add3A_494 = arith.constant 9.99999971E-10 : f32
          %add3A_495 = vector.broadcast %add3A_494 : f32 to vector<128x128xf32>
          %add3A_496 = arith.addf %sub3A_493, %add3A_495 : vector<128x128xf32>
          %div3A_497 = arith.divf %mul3A_489, %add3A_496 : vector<128x128xf32>
          %gt3A_498 = arith.constant 0.699999988 : f32
          %gt3A_499 = vector.broadcast %gt3A_498 : f32 to vector<128x128xf32>
          %gt3A_500 = arith.cmpf ogt, %div3A_497, %gt3A_499 : vector<128x128xf32>
          %jit3A_501 = arith.constant 1.000000e+00 : f32
          %jit3A_502 = arith.constant 0.000000e+00 : f32
          %broadcast_in_dim3A_503 = vector.broadcast %jit3A_501 : f32 to vector<128x128xf32>
          %broadcast_in_dim3A_504 = vector.broadcast %jit3A_502 : f32 to vector<128x128xf32>
          %select_n3A_505 = arith.select %gt3A_500, %broadcast_in_dim3A_503, %broadcast_in_dim3A_504 : vector<128x128xi1>, vector<128x128xf32>
          %dot_general3A_506 = arith.constant dense<0.000000e+00> : vector<1x128xf32>
          %dot_general3A_507 = tpu.matmul %while3A#0, %select_n3A_505, %dot_general3A_506 {dimension_numbers = #tpu.dot_dimension_numbers<[1], [0], [0], [1], [0, 0, 1, 1], [], []>, transpose_lhs_hint = false} : vector<1x128xf32>, vector<128x128xf32>, vector<1x128xf32> -> vector<1x128xf32>
          %concatenate3A = tpu.concatenate %dot_general3A_199, %dot_general3A_243, %dot_general3A_287, %dot_general3A_331, %dot_general3A_375, %dot_general3A_419, %dot_general3A_463, %dot_general3A_507 in 0 : vector<1x128xf32>, vector<1x128xf32>, vector<1x128xf32>, vector<1x128xf32>, vector<1x128xf32>, vector<1x128xf32>, vector<1x128xf32>, vector<1x128xf32> -> vector<8x128xf32>
          %mul3A_508 = arith.constant 8 : i32
          %mul3A_509 = arith.muli %while3A_133, %mul3A_508 : i32
          %add3A_510 = vector.broadcast %mul3A_509 : i32 to vector<8x1xi32>
          %add3A_511 = arith.addi %add3A_510, %iota3A_4 : vector<8x1xi32>
          %gt3A_512 = vector.broadcast %scan3A_9 : i32 to vector<8x1xi32>
          %gt3A_513 = arith.cmpi sgt, %add3A_511, %gt3A_512 : vector<8x1xi32>
          %ne3A_514 = arith.constant 0.000000e+00 : f32
          %ne3A_515 = vector.broadcast %ne3A_514 : f32 to vector<8x128xf32>
          %ne3A_516 = arith.cmpf one, %concatenate3A, %ne3A_515 : vector<8x128xf32>
          %and3A_517 = vector.broadcast %gt3A_513 : vector<8x1xi1> to vector<8x128xi1>
          %and3A_518 = arith.andi %and3A_517, %ne3A_516 : vector<8x128xi1>
          %jit3A_519 = arith.constant 0.000000e+00 : f32
          %jit3A_520 = arith.constant 1.000000e+00 : f32
          %broadcast_in_dim3A_521 = vector.broadcast %jit3A_519 : f32 to vector<8x128xf32>
          %broadcast_in_dim3A_522 = vector.broadcast %jit3A_520 : f32 to vector<8x128xf32>
          %select_n3A_523 = arith.select %and3A_518, %broadcast_in_dim3A_521, %broadcast_in_dim3A_522 : vector<8x128xi1>, vector<8x128xf32>
          %mul3A_524 = arith.constant 8 : i32
          %mul3A_525 = arith.muli %while3A_133, %mul3A_524 : i32
          %get3A_526 = arith.index_cast %mul3A_525 : i32 to index
          %get3A_527 = arith.constant 0 : index
          %get3A_528 = vector.load %arg8[%get3A_526, %get3A_527] : memref<80x128xf32, #tpu.memory_space<vmem>>, vector<8x128xf32>
          %mul3A_529 = arith.mulf %get3A_528, %select_n3A_523 : vector<8x128xf32>
          %mul3A_530 = arith.constant 8 : i32
          %mul3A_531 = arith.muli %while3A_133, %mul3A_530 : i32
          %swap3A_532 = arith.index_cast %mul3A_531 : i32 to index
          %swap3A_533 = arith.constant 0 : index
          %swap3A_534 = vector.load %arg8[%swap3A_532, %swap3A_533] : memref<80x128xf32, #tpu.memory_space<vmem>>, vector<8x128xf32>
          tpu.vector_store %arg8[%swap3A_532, %swap3A_533], %mul3A_529 {strides = array<i32>} : memref<80x128xf32, #tpu.memory_space<vmem>>, vector<8x128xf32>,
          %while3A_535 = arith.constant 0 : i32
          scf.yield %while3A_535 : i32
        }
      } else {
      }
    }
    %scan3A_8 = arith.constant 80 : i32
    return
  }
}

</mosaic_0001>

<sc_bundles>
// kernel: gather_offload_async_start
scs
__scs_entry_jumppad:
0x0: {  	(pc) =	sbr.rel $0x88, $3  }
0x1: {  	(tag) =	ssettag $0x0;
	lr =	simm.s32 $0x1  }
0x2: {  	[smem:$0x3F9A] =	sst lr;
	_ =	strace $0xD0000000  }
0x3: {  	_ = 	snop  }
0x4: {  	_ = 	snop  }
0x5: {  	_ = 	snop  }
0x6: {  	_ = 	snop  }
0x7: {  	_ = 	snop  }
__scs_overlays_trampoline_lowered:
0x8: {  	[smem:$0x3FA9] =	sst s0  }
0x9: {  	[smem:$0x3FAA] =	sst s1  }
0xa: {  	[smem:$0x3FAB] =	sst s2  }
0xb: {  	[smem:$0x3FAC] =	sst s3  }
0xc: {  	[smem:$0x3FAD] =	sst s4  }
0xd: {  	[smem:$0x3FAE] =	sst s5  }
0xe: {  	[smem:$0x3FAF] =	sst s6  }
0xf: {  	[smem:$0x3FB0] =	sst s7  }
0x10: {  	[smem:$0x3FB1] =	sst s8  }
0x11: {  	[smem:$0x3FB2] =	sst s9;
	s0 =	simm.s32 @!p0 $0x0  }
0x12: {  	s1 =	sld [smem:$0x3F98];
	s0 =	simm.s32 @p0 $0x1  }
0x13: {  	[smem:$0x3FB3] =	sst s0;
	s0 =	simm.s32 @!p1 $0x0  }
0x14: {  	s2 =	sld [smem:$0x3F97];
	s0 =	simm.s32 @p1 $0x1  }
0x15: {  	[smem:$0x3FB4] =	sst s0;
	s0 =	simm.s32 @!p2 $0x0  }
0x16: {  	s3 =	sld [smem:$0x3FDB];
	s0 =	simm.s32 @p2 $0x1  }
0x17: {  	s4 =	simm.s32 $0x1BF5;
	[smem:$0x3FB6] =	sst s0  }
0x18: {  	s0 =	sld [smem:$0x3F99];
	_ =	swait.ge [sflag:s4], $0x0  }
0x19: {  	s7 =	sld [smem:$0x3F9A]  }
0x1a: {  	s8 =	sadd.s32 $0xFFFFE003, lr  }
0x1b: {  	s9 =	sadd.s32 $0xFFFFFEF7, lr;
	s5 =	simm.s32 $0xFFFFFFFF;
	p2 =	slt.u32 s8, $0xFFFFF086  }
0x1c: {  	p1 =	slt.u32 s9, $0xF7A;
	s5 =	simm.s32 @!p2 $0x0  }
0x1d: {  	s5 =	simm.s32 @p1 $0x1;
	p0 =	seq.s32 s7, s2  }
0x1e: {  	s7 =	smul.u32 @!p0 $0xF7A, s2;
	p2 =	seq.s32 @!p0 s5, $0x0  }
0x1f: {  	s9 =	smul.u32 $0xF7A, s1;
	s8 =	simm.s32 @!p0 $0x1BF5;
	p2 =	por !p2, p0  }
0x20: {  	[sflag:s8] =	ssyncset.s32 @!p0 $0xFFFFF086;
	s6 =	sadd.s32 @!p0 s3, s7;
	s7 =	simm.s32 @!p0 $0x108  }
0x21: {  	s3 =	sadd.s32 s3, s9;
	s6 =	sadd.s32 @!p0 $0x88, s6;
	s7 =	simm.s32 @p2 $0x1082  }
0x22: {  	[simem:s7], [sflag:s8] =	dma.local @!p0 [hbm:s6], $0xF7A  }
0x23: {  	s9 =	sor.u32 $0xD0000000, s2;
	s6 =	simm.s32 $0x108;
	_ =	swait.ge @!p0 [sflag:s8], $0x0  }
0x24: {  	s3 =	sadd.s32 $0x88, s3;
	s6 =	simm.s32 @!p1 $0x1082;
	[sflag:s4] =	ssyncset.s32 $0xFFFFF086  }
0x25: {  	[simem:s6], [sflag:s4] =	dma.local [hbm:s3], $0xF7A  }
0x26: {  	[smem:$0x3F9A] =	sst s1;
	(tag) =	ssettag s2;
	_ =	strace s9  }
0x27: {  	s1 =	sld [smem:$0x3FAA]  }
0x28: {  	s2 =	sld [smem:$0x3FAB]  }
0x29: {  	s4 =	sld [smem:$0x3FAD]  }
0x2a: {  	p0 =	seq.s32 s5, $0x0;
	s5 =	sld [smem:$0x3FAE]  }
0x2b: {  	s6 =	sld [smem:$0x3FAF]  }
0x2c: {  	s7 =	sld [smem:$0x3FB0]  }
0x2d: {  	s3 =	simm.s32 $0x108;
	s8 =	sld [smem:$0x3FB1]  }
0x2e: {  	s3 =	simm.s32 @!p0 $0x1082;
	s9 =	sld [smem:$0x3FB2]  }
0x2f: {  	lr =	sadd.s32 s0, s3;
	s0 =	sld [smem:$0x3FA9]  }
0x30: {  	s3 =	sld [smem:$0x3FAC]  }
0x31: {  	[smem:$0x3FB5] =	sst s10  }
0x32: {  	s10 =	sld [smem:$0x3FB3];
	_ =	sdelay $0x3  }
0x33: {  	p0 =	seq.s32 s10, $0x1;
	s10 =	sld [smem:$0x3FB5];
	_ =	sdelay $0x3  }
0x34: {  	[smem:$0x3FB5] =	sst s10  }
0x35: {  	s10 =	sld [smem:$0x3FB4];
	_ =	sdelay $0x3  }
0x36: {  	p1 =	seq.s32 s10, $0x1;
	s10 =	sld [smem:$0x3FB5];
	_ =	sdelay $0x3  }
0x37: {  	[smem:$0x3FB5] =	sst s10  }
0x38: {  	s10 =	sld [smem:$0x3FB6]  }
0x39: {  	_ = 	snop;
	(pc) =	sbr.ind lr, $3  }
0x3a: {  	_ = 	snop  }
0x3b: {  	_ = 	snop  }
0x3c: {  	p2 =	seq.s32 s10, $0x1;
	s10 =	sld [smem:$0x3FB5]  }
0x3d: {  	_ =	shalt  }
0x3e: {  	_ =	shalt  }
0x3f: {  	_ =	shalt  }
0x40: {  	_ =	shalt  }
0x41: {  	_ =	shalt  }
0x42: {  	_ =	shalt  }
0x43: {  	_ =	shalt  }
0x44: {  	_ =	shalt  }
0x45: {  	_ =	shalt  }
0x46: {  	_ =	shalt  }
0x47: {  	_ =	shalt  }
0x48: {  	_ =	shalt  }
0x49: {  	_ =	shalt  }
0x4a: {  	_ =	shalt  }
0x4b: {  	_ =	shalt  }
0x4c: {  	_ =	shalt  }
0x4d: {  	_ =	shalt  }
0x4e: {  	_ =	shalt  }
0x4f: {  	_ =	shalt  }
0x50: {  	_ =	shalt  }
0x51: {  	_ =	shalt  }
0x52: {  	_ =	shalt  }
0x53: {  	_ =	shalt  }
0x54: {  	_ =	shalt  }
0x55: {  	_ =	shalt  }
0x56: {  	_ =	shalt  }
0x57: {  	_ =	shalt  }
0x58: {  	_ =	shalt  }
0x59: {  	_ =	shalt  }
0x5a: {  	_ =	shalt  }
0x5b: {  	_ =	shalt  }
0x5c: {  	_ =	shalt  }
0x5d: {  	_ =	shalt  }
0x5e: {  	_ =	shalt  }
0x5f: {  	_ =	shalt  }
0x60: {  	_ =	shalt  }
0x61: {  	_ =	shalt  }
0x62: {  	_ =	shalt  }
0x63: {  	_ =	shalt  }
0x64: {  	_ =	shalt  }
0x65: {  	_ =	shalt  }
0x66: {  	_ =	shalt  }
0x67: {  	_ =	shalt  }
0x68: {  	_ =	shalt  }
0x69: {  	_ =	shalt  }
0x6a: {  	_ =	shalt  }
0x6b: {  	_ =	shalt  }
0x6c: {  	_ =	shalt  }
0x6d: {  	_ =	shalt  }
0x6e: {  	_ =	shalt  }
0x6f: {  	_ =	shalt  }
0x70: {  	_ =	shalt  }
0x71: {  	_ =	shalt  }
0x72: {  	_ =	shalt  }
0x73: {  	_ =	shalt  }
0x74: {  	_ =	shalt  }
0x75: {  	_ =	shalt  }
0x76: {  	_ =	shalt  }
0x77: {  	_ =	shalt  }
0x78: {  	_ =	shalt  }
0x79: {  	_ =	shalt  }
0x7a: {  	_ =	shalt  }
0x7b: {  	_ =	shalt  }
0x7c: {  	_ =	shalt  }
0x7d: {  	_ =	shalt  }
0x7e: {  	_ =	shalt  }
0x7f: {  	_ =	shalt  }
0x80: {  	_ =	shalt  }
0x81: {  	_ =	shalt  }
0x82: {  	_ =	shalt  }
0x83: {  	_ =	shalt  }
0x84: {  	_ =	shalt  }
0x85: {  	_ =	shalt  }
0x86: {  	_ =	shalt  }
0x87: {  	_ =	shalt  }
.Lfunc_end0:
.L_simem_size_0:
called_computation_lowered:
.L_overlay_start_0:
0x88: {  	s0 =	sld [smem:$0x3FD9]  }
0x89: {  	s1 =	sld [smem:$0x3FFE];
	_ =	sdelay $0x3  }
0x8a: {  	s0 =	sadd.s32 s1, s0  }
0x8b: {  	[smem:$0x3FC1] =	sst s0  }
0x8c: {  	_ = 	snop  }
0x8d: {  	(tm) =	ssettm $0x1  }
0x8e: {  	s15 =	sld [smem:$0x3FFB];
	_ =	sdelay $0x3  }
0x8f: {  	_ =	strace s15  }
0x90: {  	s0 =	sld [smem:$0x3FFC];
	_ =	sdelay $0x3  }
0x91: {  	_ =	strace s0  }
0x92: {  	s0 =	sld [smem:$0x3FFD];
	_ =	sdelay $0x3  }
0x93: {  	_ =	strace s0  }
0x94: {  	_ =	strace $0x8FFFFFFF  }
0x95: {  	s16 =	sld [smem:$0x3FDB];
	_ =	sdelay $0x1  }
0x96: {  	s17 =	simm.s32 $_scs_section_size  }
0x97: {  	s2 =	simm.s32 $_size__tile_overlayer_lowered;
	s3 =	simm.s32 $_tile_overlayer_lowered  }
0x98: {  	s20 =	simm.s32 $0x1BFF;
	s19 =	sshll.u32 s3, $0x1;
	s0 =	sadd.s32 s17, s16  }
0x99: {  	s4 =	simm.s32 $0x0;
	s18 =	sshll.u32 s2, $0x1;
	s2 =	sadd.s32 s19, s0  }
0x9a: {  	[timem:s4], [sflag:s20] =	dma.local [hbm:s2], s18  }
0x9b: {  	_ =	swait.ge [sflag:s20], s18  }
0x9c: {  	s1 =	ssub.s32 $0x0, s18;
	[sflag:s20] =	ssyncset.done $0x0  }
0x9d: {  	[sflag:s20] =	ssyncadd.s32 s1;
	_ =	sdelay $0x1  }
0x9e: {  	s21 =	simm.s32 $0x1B8B  }
0x9f: {  	_ =	swait.ge [sflag:s21], $0x1  }
0xa0: {  	[sflag:s21] =	ssyncset.done $0x0  }
0xa1: {  	s23 =	simm.s32 $0x1B8E;
	s22 =	sld [smem:$0x3FFE];
	[sflag:s21] =	ssyncadd.s32 $0xFFFFFFFF  }
0xa2: {  	s24 =	simm.s32 $execute0_lowered;
	[smem:$0x3FD2] =	sst s23  }
0xa3: {  	s2 =	sshll.u32 s24, $0x1;
	_ =	strace $0x80000046;
	[dreg:$0x1] =	wrdreg $0xFFFFFFFF  }
0xa4: {  	s25 =	simm.s32 $_size_execute0_lowered;
	s0 =	sadd.s32 s0, s2;
	[dreg:$0x0] =	wrdreg $0x0  }
0xa5: {  	s2 =	sshll.u32 s25, $0x1;
	[dreg:$0x2] =	wrdreg s0  }
0xa6: {  	[dreg:$0x3] =	wrdreg s2  }
0xa7: {  	[dreg:$0x4] =	wrdreg $0xC0  }
0xa8: {  	_ =	task [dreg:s4], $0x5FFFF  }
0xa9: {  	[dreg:$0x1] =	wrdreg $0xFFFFFFFF  }
0xaa: {  	[dreg:$0x0] =	wrdreg $0x60  }
0xab: {  	[dreg:$0x2] =	wrdreg s22  }
0xac: {  	[dreg:$0x3] =	wrdreg $0x9  }
0xad: {  	_ =	task.clear_ibuf [dreg:s4], $0x4FFFF;
	_ =	strace $0x90000046  }
0xae: {  	s26 =	simm.s32 $0x9;
	_ =	strace $0x80000048  }
0xaf: {  	_ =	swait.ge [sflag:s26], $0x1  }
0xb0: {  	[sflag:s26] =	ssyncadd.s32 $0xFFFFFFFF  }
0xb1: {  	_ =	strace $0x90000048  }
0xb2: {  	_ =	sfence  }
0xb3: {  	s28 =	sld [smem:$0x0];
	_ =	sdelay $0x1  }
0xb4: {  	s29 =	srdreg.scid  }
0xb5: {  	s30 =	sshll.u32 s29, $0xD;
	s31 =	sshrl.u32 s29, $0x2  }
0xb6: {  	s1 =	sand.u32 $0x1, s29;
	s2 =	sand.u32 $0x4000, s30;
	s0 =	sadd.s32 s31, s28  }
0xb7: {  	s1 =	sor.u32 s2, s1;
	s0 =	sshll.u32 s0, $0x11  }
0xb8: {  	s0 =	sor.u32 s0, s1  }
0xb9: {  	s0 =	sadd.s32 $0x8F2B, s0  }
0xba: {  	[sflag:s0] =	ssyncadd.remote.s32 $0x1  }
0xbb: {  	_ =	sfence.sel $0xFFFF  }
0xbc: {  	[dreg:$0x0] =	wrdreg $0xFFFFFFFF;
	(pc) =	sbr.abs _section_cstart, $3  }
0xbd: {  	[dreg:$0x1] =	wrdreg $0xFFFFFFFF  }
0xbe: {  	_ =	task.clear_ibuf [dreg:s4], $0x2FFFF;
	_ =	strace $0x9FFFFFFF  }
0xbf: {  	(tm) =	ssettm $0x7FFFFFFF  }
tec
execute0_lowered:
.L_overlay_start_1:
0x0: {  	(tag) =	ssettag $0x1  }
0x1: {  	s0 =	stileid.u32  }
0x2: {  	s1 =	smin.u32 s0, $0x9  }
0x3: {  	s1 =	sadd.s32 s0, s1  }
0x4: {  	s2 =	simm.s32 $0x320;
	p0 =	slt.u32 s0, $0x9;
	s1 =	smul.u32 $0x190, s1  }
0x5: {  	s2 =	simm.s32 @!p0 $0x190  }
0x6: {  	s2 =	sadd.s32 s2, s1  }
0x7: {  	s3 =	smin.u32 s2, $0x2710  }
0x8: {  	s7 =	ssub.s32 s3, s1  }
0x9: {  	p0 =	sgt.s32 s7, $0x0  }
0xa: {  	s7 =	simm.s32 @!p0 $0x0  }
0xb: {  	s31 =	sand.u32 $0xFFF0, s7  }
0xc: {  	s2 =	sshrl.u32 s31, $0x4  }
0xd: {  	s2 =	smul.u32 $0xA3E, s2  }
0xe: {  	s4 =	rddreg [dreg:$0x0];
	s6 =	simm.s32 $0x1  }
0xf: {  	s10 =	simm.s32 $0x3;
	s13 =	simm.s32 $0x0;
	s8 =	sshrl.u32 s2, $0x10  }
0x10: {  	s12 =	simm.s32 $0x0;
	s5 =	sadd.s32 $0x600, s4;
	s9 =	smul.u32 $0x190, s8  }
.Ltmp0:
0x11: {  	s11 =	smov.u32 s1;
	s2 =	rddreg [dreg:$0x1];
	(pc) =	sbr.rel .LBB2_1-.Ltmp0, $4  }
0x12: {  	_ =	strace $0x80000047;
	p0 =	sne.s32 s7, s9;
	s9 =	simm.s32 $0x1  }
0x13: {  	[sflag:s6] =	ssyncpa.u1 $0x0;
	s7 =	simm.s32 $0x2;
	s9 =	simm.s32 @!p0 $0x0  }
0x14: {  	[sflag:s7] =	ssyncpa.u1 $0x0;
	p0 =	por $0x0, $0x0;
	s8 =	sadd.s32 s8, s9  }
0x15: {  	vm0 =	vmmov $0xff;
	vm1 =	vcmask $0x3F20;
	s9 =	sadd.s32 $0x58600, s4;
	[sflag:s10] =	ssyncpa.u1 $0x0;
	s10 =	sadd.s32 $0x1, s8  }
.LBB2_6:
0x16: {  	[hbm:s17] =	stream.linear.scatter [tilespmem:s14], [sflag:$0x3], $0x400, $0x38;
	[tilespmem:$0x19320] =	vst v63  }
.LBB2_7:
0x17: {  	s13 =	sadd.s32 $0x190, s11  }
0x18: {  	s15 =	smov.u32 s1;
	p2 =	slt.s32 s13, s3  }
0x19: {  	s15 =	smov.u32 @p2 s13;
	p2 =	sne.s32 s12, s10  }
.Ltmp1:
0x1a: {  	p1 =	slt.u32 s12, $0x2;
	(pc) =	sbr.rel @!p2 .LBB2_8-.Ltmp1, $4  }
0x1b: {  	s14 =	simm.s32 @!p1 $0x3  }
0x1c: {  	s16 =	sadd.s32 $0x1, s12;
	_ =	swait.ge @!p1 [sflag:s14], $0xC800  }
0x1d: {  	p0 =	por !p0, !p0;
	s13 =	smov.u32 s11;
	[sflag:s14] =	ssyncset.done @!p1 $0x0  }
0x1e: {  	s12 =	smov.u32 s16;
	s11 =	smov.u32 s15;
	[sflag:s14] =	ssyncadd.s32 @!p1 $0xFFFF3800  }
.LBB2_1:
0x1f: {  	p1 =	sge.u32 s12, s8  }
0x20: {  	s14 =	sxor.u32 @!p1 $0xFFFFFFFF, s12  }
0x21: {  	s14 =	sand.u32 @!p1 $0x1, s14  }
0x22: {  	s14 =	smul.u32 @!p1 $0x640, s14  }
0x23: {  	s31 =	sadd.s32 $0xFFFFFFFF, s12;
	s15 =	sshrl.u32 @!p1 s11, $0x3  }
0x24: {  	s16 =	sand.u32 @!p1 $0x7, s11;
	s15 =	sadd.s32 @!p1 s4, s15;
	s14 =	sshrl.u32 @!p1 s14, $0x2  }
0x25: {  	[tilespmem:s14], [sflag:$0x2] =	stream.linear.gather @!p1 [hbm4b:s15+s16], $0x190, $0x38;
	[tilespmem:$0x19320] =	vst v63  }
0x26: {  	p1 =	sge.u32 s31, s8  }
.Ltmp2:
0x27: {  	_ = 	snop;
	(pc) =	sbr.rel @p1 .LBB2_7-.Ltmp2, $1  }
0x28: {  	_ =	sdelay $0x3  }
0x29: {  	s14 =	simm.s32 $0x1  }
0x2a: {  	s14 =	simm.s32 @!p0 $0x0  }
0x2b: {  	s15 =	smul.u32 $0x640, s14  }
0x2c: {  	_ =	swait.ge [sflag:s7], $0x190  }
0x2d: {  	[sflag:s7] =	ssyncset.done $0x0;
	s16 =	sshrl.u32 s15, $0x2  }
0x2e: {  	[sflag:s7] =	ssyncadd.s32 $0xFFFFFE70;
	s15 =	sadd.s32 $0x0, s16  }
0x2f: {  	v0 =	vld.msk [tilespmem:s15+$0x0 ss:$0x1], $0xffff;
	_ =	sdelay $0x4  }
0x30: {  	vm2 =	vgt.s32 v0, $0x0  }
0x31: {  	v0 =	vnsel vm2, $0x0, v0  }
0x32: {  	v0 =	vmin.u32 v0, $0x57E3  }
0x33: {  	v0 =	vshll.u32 v0, $0x4  }
0x34: {  	s14 =	smul.u32 $0x32000, s14;
	_ =	sdelay $0x1  }
0x35: {  	s14 =	sshrl.u32 s14, $0x2  }
0x36: {  	s14 =	sor.u32 $0x320, s14  }
0x37: {  	[tilespmem:s14], [sflag:$0x1] =	stream.indirect_vreg.gather [hbm:s5], $0x80, v0, vm0, $0x38;
	[tilespmem:$0x19320] =	vst v63  }
0x38: {  	s17 =	sadd.s32 $0x10, s16;
	s15 =	sadd.s32 $0x400, s14  }
0x39: {  	[tilespmem:s15], [sflag:$0x1] =	stream.indirect_vreg.gather [hbm:s5], $0x80, v0, vm1, $0x38;
	[tilespmem:$0x19320] =	vst v63  }
0x3a: {  	s18 =	simm.s32 $0x80;
	v0 =	vld.msk [tilespmem:s17+$0x0 ss:$0x1], $0xffff;
	s17 =	smov.u32 s14  }
.LBB2_3:
0x3b: {  	p1 =	sne.s32 s18, $0x600;
	_ =	sdelay $0x4  }
0x3c: {  	vm2 =	vgt.s32 v0, $0x0  }
0x3d: {  	v0 =	vnsel vm2, $0x0, v0  }
0x3e: {  	v0 =	vmin.u32 v0, $0x57E3  }
0x3f: {  	v0 =	vshll.u32 v0, $0x4;
	_ =	sdelay $0x3  }
.Ltmp3:
0x40: {  	s19 =	sshra.s32 s18, $0x2;
	s17 =	sadd.s32 $0x800, s17;
	(pc) =	sbr.rel @p1 .LBB2_3-.Ltmp3, $4  }
0x41: {  	[tilespmem:s17], [sflag:$0x1] =	stream.indirect_vreg.gather [hbm:s5], $0x80, v0, vm0, $0x38;
	[tilespmem:$0x19320] =	vst v63  }
0x42: {  	s19 =	sadd.s32 s19, s16;
	s20 =	sadd.s32 $0x400, s17  }
0x43: {  	[tilespmem:s20], [sflag:$0x1] =	stream.indirect_vreg.gather [hbm:s5], $0x80, v0, vm1, $0x38;
	[tilespmem:$0x19320] =	vst v63  }
0x44: {  	s18 =	sadd.s32 $0x40, s18;
	v0 =	vld.msk [tilespmem:s19+$0x0 ss:$0x1], $0xffff  }
0x45: {  	_ =	sdelay $0x3  }
0x46: {  	vm2 =	vgt.s32 v0, $0x0  }
0x47: {  	v0 =	vnsel vm2, $0x0, v0  }
0x48: {  	v0 =	vmin.u32 v0, $0x57E3  }
0x49: {  	v0 =	vshll.u32 v0, $0x4;
	_ =	sdelay $0x3  }
0x4a: {  	s16 =	sadd.s32 $0x800, s17  }
0x4b: {  	[tilespmem:s16], [sflag:$0x1] =	stream.indirect_vreg.gather [hbm:s5], $0x80, v0, vm0, $0x38;
	[tilespmem:$0x19320] =	vst v63  }
0x4c: {  	s16 =	sadd.s32 $0x400, s16  }
0x4d: {  	[tilespmem:s16], [sflag:$0x1] =	stream.indirect_vreg.gather [hbm:s5], $0x80, v0, vm1, $0x38;
	[tilespmem:$0x19320] =	vst v63  }
0x4e: {  	s13 =	sshll.u32 s13, $0x4;
	_ =	swait.ge [sflag:s6], $0xC800  }
0x4f: {  	s13 =	sadd.s32 s13, s9;
	[sflag:s6] =	ssyncset.done $0x0  }
0x50: {  	s17 =	sadd.s32 $0x0, s13;
	s16 =	simm.s32 $0x80;
	[sflag:s6] =	ssyncadd.s32 $0xFFFF3800  }
.LBB2_5:
0x51: {  	[hbm:s17] =	stream.linear.scatter [tilespmem:s14], [sflag:$0x3], $0x400, $0x38;
	[tilespmem:$0x19320] =	vst v63  }
0x52: {  	s17 =	smov.u32 s16;
	s14 =	smov.u32 s15;
	p1 =	sne.s32 s16, $0x1880  }
.Ltmp4:
0x53: {  	s16 =	sadd.s32 $0x80, s16;
	(pc) =	sbr.rel @p1 .LBB2_5-.Ltmp4, $2  }
0x54: {  	_ =	sdelay $0x2  }
0x55: {  	s15 =	sadd.s32 $0x400, s15;
	s17 =	sadd.s32 s17, s13  }
.Ltmp5:
0x56: {  	_ = 	snop;
	(pc) =	sbr.rel .LBB2_6-.Ltmp5, $1  }
0x57: {  	_ =	sdelay $0x3  }
.LBB2_8:
0x58: {  	_ =	sfence.sel $0x180000  }
0x59: {  	s1 =	simm.s32 $0x2;
	[bflag:$0x0] =	sbarrier.arrive $0xFFFF  }
0x5a: {  	s30 =	simm.s32 $0x3;
	[sflag:s1] =	ssyncpa.u1 $0x1  }
0x5b: {  	s31 =	simm.s32 $0x1;
	[sflag:s30] =	ssyncpa.u1 $0x1  }
0x5c: {  	[sflag:s31] =	ssyncpa.u1 $0x1  }
0x5d: {  	p0 =	sne.s32 s0, $0x0;
	_ =	strace $0x90000047  }
0x5e: {  	s0 =	sadd.s32 @!p0 $0x100000, s2;
	[bflag:$0x2] =	sbarrier.arrive $0xFFFF  }
0x5f: {  	[sflag:s0] =	ssyncadd.tile.s32 @!p0 $0x1;
	_ =	shalt  }
.Lfunc_end2:
_tile_overlayer_lowered:
.L_overlay_start_2:
0x60: {  	(tag) =	ssettag $0x2  }
0x61: {  	s0 =	rddreg [dreg:$0x0];
	s2 =	stileid.u32  }
0x62: {  	s1 =	rddreg [dreg:$0x1];
	p0 =	sne.s32 s2, $0x0  }
0x63: {  	s3 =	rddreg [dreg:$0x2];
	[bflag:$0x3] =	sbarrier.arrive $0xFFFF;
	s2 =	simm.s32 @!p0 $0x1C01  }
0x64: {  	[timem:s3], [sflag:s2] =	dma.local @!p0 [hbm:s0], s1  }
0x65: {  	s0 =	simm.s32 @!p0 $0x1  }
0x66: {  	_ =	swait.ge @!p0 [sflag:s0], s1  }
0x67: {  	s1 =	ssub.s32 @!p0 $0x0, s1;
	[sflag:s0] =	ssyncset.done @!p0 $0x0  }
0x68: {  	[sflag:s0] =	ssyncadd.s32 @!p0 s1  }
0x69: {  	[bflag:$0x3] =	sbarrier.arrive $0xFFFF  }
0x6a: {  	_ =	shalt  }

</sc_bundles>
